<compile_context>
chip_gen: v7x
topology: tpu7x:2x2x1
jax: 0.10.2.dev20260603
libtpu: 0.0.44.dev20260713+nightly
codegen_flags: <defaults>
</compile_context>

<pallas_src>
import functools

import jax
import jax.numpy as jnp
from jax import lax
from jax.experimental import pallas as pl
from jax.experimental.pallas import tpu as pltpu
from jax.experimental.pallas import tpu_sc as plsc

N = 10000
E = 320000
D = 128
H = 128
C = 10
G = 64

NC = 2
NS = 16
NW = NC * NS

EW = E // NW
SEG = 80
WSEG = EW // SEG
R0 = 624
R1 = N - (NS - 1) * R0

RB = 2000

_MESH = plsc.VectorSubcoreMesh(
    core_axis_name="c", subcore_axis_name="s", num_cores=NC, num_subcores=NS)



DW = 8


@functools.partial(
    pl.kernel,
    out_type=jax.ShapeDtypeStruct((NC, N, DW), jnp.float32),
    mesh=_MESH,
    scratch_types=[
        pltpu.VMEM((WSEG, SEG), jnp.int32),
        pltpu.VMEM((SEG, DW), jnp.float32),
        pltpu.VMEM_SHARED((N, DW), jnp.float32),
    ],
)
def _deg_sc(dst_hbm, zeros_hbm, ones_hbm, out_hbm, dst_v, ones_v, acc):
  c = lax.axis_index("c")
  s = lax.axis_index("s")
  wid = c * NS + s
  pltpu.sync_copy(dst_hbm.at[wid], dst_v)
  pltpu.sync_copy(ones_hbm, ones_v)

  @pl.when(s == 0)
  def _():
    pltpu.sync_copy(zeros_hbm, acc)

  plsc.subcore_barrier()

  def body(j, carry):
    pltpu.sync_copy(ones_v, acc.at[dst_v.at[j]], add=True)
    return carry

  lax.fori_loop(0, WSEG, body, 0)
  plsc.subcore_barrier()

  @pl.when(s == 0)
  def _():
    pltpu.sync_copy(acc, out_hbm.at[c])


@functools.partial(
    pl.kernel,
    out_type=jax.ShapeDtypeStruct((NC, N, H), jnp.float32),
    mesh=_MESH,
    scratch_types=[
        pltpu.VMEM((WSEG, SEG), jnp.int32),
        pltpu.VMEM((WSEG, SEG), jnp.int32),
        pltpu.VMEM((SEG, H), jnp.float32),
        pltpu.VMEM_SHARED((N, H), jnp.float32),
        pltpu.SemaphoreType.DMA,
    ],
)
def _agg_sc(hs_hbm, src_hbm, dst_hbm, zeros_hbm, out_hbm,
            src_v, dst_v, rows_v, acc, sem):
  c = lax.axis_index("c")
  s = lax.axis_index("s")
  wid = c * NS + s
  pltpu.sync_copy(src_hbm.at[wid], src_v)
  pltpu.sync_copy(dst_hbm.at[wid], dst_v)

  @pl.when(s < NS - 1)
  def _():
    pltpu.sync_copy(zeros_hbm.at[pl.ds(s * R0, R0)], acc.at[pl.ds(s * R0, R0)])

  @pl.when(s == NS - 1)
  def _():
    pltpu.sync_copy(zeros_hbm.at[pl.ds((NS - 1) * R0, R1)],
                    acc.at[pl.ds((NS - 1) * R0, R1)])

  plsc.subcore_barrier()

  def body(j, carry):
    pltpu.async_copy(hs_hbm.at[src_v.at[j]], rows_v, sem).wait()
    pltpu.sync_copy(rows_v, acc.at[dst_v.at[j]], add=True)
    return carry

  lax.fori_loop(0, WSEG, body, 0)
  plsc.subcore_barrier()

  @pl.when(s < NS - 1)
  def _():
    pltpu.sync_copy(acc.at[pl.ds(s * R0, R0)],
                    out_hbm.at[c, pl.ds(s * R0, R0)])

  @pl.when(s == NS - 1)
  def _():
    pltpu.sync_copy(acc.at[pl.ds((NS - 1) * R0, R1)],
                    out_hbm.at[c, pl.ds((NS - 1) * R0, R1)])



def _mm1_body(x_ref, w_ref, degp_ref, hs_ref, dinv_ref):
  p = degp_ref[...]
  dinv = lax.rsqrt(1.0 + p[0, :, 0:1] + p[1, :, 0:1])
  h = jnp.dot(x_ref[...], w_ref[...], preferred_element_type=jnp.float32)
  hs_ref[...] = h * dinv
  dinv_ref[...] = dinv


def _mm1(x, W1, degp):
  return pl.pallas_call(
      _mm1_body,
      grid=(N // RB,),
      in_specs=[
          pl.BlockSpec((RB, D), lambda i: (i, 0)),
          pl.BlockSpec((D, H), lambda i: (0, 0)),
          pl.BlockSpec((NC, RB, DW), lambda i: (0, i, 0)),
      ],
      out_specs=[
          pl.BlockSpec((RB, H), lambda i: (i, 0)),
          pl.BlockSpec((RB, 1), lambda i: (i, 0)),
      ],
      out_shape=[
          jax.ShapeDtypeStruct((N, H), jnp.float32),
          jax.ShapeDtypeStruct((N, 1), jnp.float32),
      ],
  )(x, W1, degp)


def _fuse_body(acc_ref, hs_ref, dinv_ref, b_ref, w_ref, out_ref):
  a = acc_ref[...]
  dinv = dinv_ref[...]
  t = (a[0] + a[1] + hs_ref[...]) * dinv + b_ref[...]
  t = jnp.maximum(t, 0.0)
  out_ref[...] = jnp.dot(t, w_ref[...],
                         preferred_element_type=jnp.float32) * dinv


def _fuse(acc, hs, dinv, b, W):
  return pl.pallas_call(
      _fuse_body,
      grid=(N // RB,),
      in_specs=[
          pl.BlockSpec((NC, RB, H), lambda i: (0, i, 0)),
          pl.BlockSpec((RB, H), lambda i: (i, 0)),
          pl.BlockSpec((RB, 1), lambda i: (i, 0)),
          pl.BlockSpec((1, H), lambda i: (0, 0)),
          pl.BlockSpec((H, H), lambda i: (0, 0)),
      ],
      out_specs=pl.BlockSpec((RB, H), lambda i: (i, 0)),
      out_shape=jax.ShapeDtypeStruct((N, H), jnp.float32),
  )(acc, hs, dinv, b, W)


def _head_body(acc_ref, hs_ref, dinv_ref, b_ref, batch_ref,
               w1_ref, c1_ref, w2_ref, c2_ref, out_ref, sums, cnt):
  i = pl.program_id(0)

  @pl.when(i == 0)
  def _():
    sums[...] = jnp.zeros_like(sums)
    cnt[...] = jnp.zeros_like(cnt)

  a = acc_ref[...]
  dinv = dinv_ref[...]
  u = (a[0] + a[1] + hs_ref[...]) * dinv + b_ref[...]
  u = jnp.maximum(u, 0.0)
  gids = lax.broadcasted_iota(jnp.int32, (1, G), 1)
  mask = (batch_ref[...] == gids).astype(jnp.float32)
  dn = (((0,), (0,)), ((), ()))
  sums[...] += lax.dot_general(mask, u, dn, preferred_element_type=jnp.float32)
  cnt[...] += lax.dot_general(mask, jnp.ones_like(u), dn,
                              preferred_element_type=jnp.float32)

  @pl.when(i == pl.num_programs(0) - 1)
  def _():
    pooled = sums[...] / jnp.maximum(cnt[...], 1.0)
    t = jnp.dot(pooled, w1_ref[...], preferred_element_type=jnp.float32)
    t = jnp.maximum(t + c1_ref[...], 0.0)
    out_ref[...] = jnp.dot(t, w2_ref[...],
                           preferred_element_type=jnp.float32) + c2_ref[...]


def _head(acc, hs, dinv, b, batch2d, lin1_W, lin1_b, lin2_W, lin2_b):
  return pl.pallas_call(
      _head_body,
      grid=(N // RB,),
      in_specs=[
          pl.BlockSpec((NC, RB, H), lambda i: (0, i, 0)),
          pl.BlockSpec((RB, H), lambda i: (i, 0)),
          pl.BlockSpec((RB, 1), lambda i: (i, 0)),
          pl.BlockSpec((1, H), lambda i: (0, 0)),
          pl.BlockSpec((RB, 1), lambda i: (i, 0)),
          pl.BlockSpec((H, H), lambda i: (0, 0)),
          pl.BlockSpec((1, H), lambda i: (0, 0)),
          pl.BlockSpec((H, C), lambda i: (0, 0)),
          pl.BlockSpec((1, C), lambda i: (0, 0)),
      ],
      out_specs=pl.BlockSpec((G, C), lambda i: (0, 0)),
      out_shape=jax.ShapeDtypeStruct((G, C), jnp.float32),
      scratch_shapes=[
          pltpu.VMEM((G, H), jnp.float32),
          pltpu.VMEM((G, H), jnp.float32),
      ],
  )(acc, hs, dinv, b, batch2d, lin1_W, lin1_b, lin2_W, lin2_b)



def kernel(x, edge_index, batch, W1, b1, W2, b2, W3, b3,
           lin1_W, lin1_b, lin2_W, lin2_b):
  src = edge_index[0].reshape(NW, WSEG, SEG)
  dst = edge_index[1].reshape(NW, WSEG, SEG)
  zeros2d = jnp.zeros((N, H), jnp.float32)
  zeros8 = jnp.zeros((N, DW), jnp.float32)
  ones8 = jnp.ones((SEG, DW), jnp.float32)

  degp = _deg_sc(dst, zeros8, ones8)
  hs, dinv = _mm1(x, W1, degp)

  acc = _agg_sc(hs, src, dst, zeros2d)
  hs = _fuse(acc, hs, dinv, b1.reshape(1, H), W2)
  acc = _agg_sc(hs, src, dst, zeros2d)
  hs = _fuse(acc, hs, dinv, b2.reshape(1, H), W3)
  acc = _agg_sc(hs, src, dst, zeros2d)

  return _head(acc, hs, dinv, b3.reshape(1, H), batch.reshape(N, 1),
               lin1_W, lin1_b.reshape(1, H), lin2_W, lin2_b.reshape(1, C))

# --- scband reference (transcript-rebuilt; emitter-appended) ---
"""Pipeline reference for scband-gcn-8280696947369 (READ-ONLY COPY).

The authoritative reference and input builder live on the scoring server;
editing this copy changes nothing except your own understanding.
"""

import jax, jax.numpy as jnp
import numpy as np

N = 10000
E = 320000
D = 128
H = 128
C = 10
G = 64


def setup_inputs(seed: int = 0) -> dict:
    key = jax.random.key(seed)
    ks = jax.random.split(key, 16)
    x = jax.random.normal(ks[0], (N, D), dtype=jnp.float32)
    edge_index = jax.random.randint(ks[1], (2, E), 0, N, dtype=jnp.int32)
    batch = jnp.sort(jax.random.randint(ks[2], (N,), 0, G, dtype=jnp.int32))
    W1 = jax.random.normal(ks[3], (D, H), dtype=jnp.float32) * 0.05
    b1 = jnp.zeros((H,), dtype=jnp.float32)
    W2 = jax.random.normal(ks[4], (H, H), dtype=jnp.float32) * 0.05
    b2 = jnp.zeros((H,), dtype=jnp.float32)
    W3 = jax.random.normal(ks[5], (H, H), dtype=jnp.float32) * 0.05
    b3 = jnp.zeros((H,), dtype=jnp.float32)
    lin1_W = jax.random.normal(ks[6], (H, H), dtype=jnp.float32) * 0.05
    lin1_b = jnp.zeros((H,), dtype=jnp.float32)
    lin2_W = jax.random.normal(ks[7], (H, C), dtype=jnp.float32) * 0.05
    lin2_b = jnp.zeros((C,), dtype=jnp.float32)
    return {"x": x, "edge_index": edge_index, "batch": batch,
            "W1": W1, "b1": b1, "W2": W2, "b2": b2, "W3": W3, "b3": b3,
            "lin1_W": lin1_W, "lin1_b": lin1_b, "lin2_W": lin2_W, "lin2_b": lin2_b}


def _gcn_conv(x, W, b, src, dst):
    # GCNConv: linear transform, add self-loops, symmetric normalization, scatter-add aggregate, bias
    h = x @ W
    n = x.shape[0]
    sl = jnp.arange(n, dtype=src.dtype)
    s2 = jnp.concatenate([src, sl])
    d2 = jnp.concatenate([dst, sl])
    deg = jnp.zeros((n,), h.dtype).at[d2].add(1.0)
    dinv = jnp.where(deg > 0, 1.0 / jnp.sqrt(deg), 0.0)
    norm = dinv[s2] * dinv[d2]
    msg = h[s2] * norm[:, None]
    out = jnp.zeros((n, h.shape[1]), h.dtype).at[d2].add(msg)
    return out + b


def reference(x, edge_index, batch, W1, b1, W2, b2, W3, b3, lin1_W, lin1_b, lin2_W, lin2_b):
    src, dst = edge_index[0], edge_index[1]
    h = jax.nn.relu(_gcn_conv(x, W1, b1, src, dst))
    h = jax.nn.relu(_gcn_conv(h, W2, b2, src, dst))
    h = jax.nn.relu(_gcn_conv(h, W3, b3, src, dst))
    sums = jax.ops.segment_sum(h, batch, num_segments=G)
    cnt = jax.ops.segment_sum(jnp.ones((h.shape[0],), h.dtype), batch, num_segments=G)
    pooled = sums / jnp.maximum(cnt, 1.0)[:, None]
    h = jax.nn.relu(pooled @ lin1_W + lin1_b)
    # dropout is identity at inference
    return h @ lin2_W + lin2_b

if __name__ == "__main__":
    import jax
    _d = setup_inputs()
    print(jax.jit(kernel)(*tuple(_d.values())))

</pallas_src>

<mosaic_0001>
#map = affine_map<(d0, d1) -> (0, 0, 0)>
#map1 = affine_map<(d0, d1) -> (0, 0)>
module attributes {stable_mosaic.version = 14 : i64} {
  func.func @_deg_sc(%arg0: i32, %arg1: i32, %arg2: memref<32x125x80xi32, #tpu.memory_space<hbm>>, %arg3: memref<10000x8xf32, #tpu.memory_space<hbm>>, %arg4: memref<80x8xf32, #tpu.memory_space<hbm>>, %arg5: memref<2x10000x8xf32, #tpu.memory_space<hbm>>, %arg6: memref<125x80xi32, #tpu.memory_space<vmem>>, %arg7: memref<80x8xf32, #tpu.memory_space<vmem>>, %arg8: memref<10000x8xf32, #tpu.memory_space<vmem_shared>>) attributes {dimension_semantics = [#tpu.dimension_semantics<core_parallel>, #tpu.dimension_semantics<subcore_parallel>], iteration_bounds = array<i64: 2, 16>, scalar_prefetch = 0 : i64, scratch_operands = 3 : i64, tpu.core_type = #tpu.core_type<sc_vector_subcore>, window_params = [{transform_indices = #map}, {transform_indices = #map1}, {transform_indices = #map1}, {transform_indices = #map}]} {
    %mul3A = arith.constant 16 : i32
    %mul3A_0 = arith.muli %arg0, %mul3A : i32
    %add3A = arith.addi %mul3A_0, %arg1 : i32
    "tpu.region"() ({
      %run_scoped3A = tpu.sem_alloc : memref<!tpu.dma_semaphore, #tpu.memory_space<semaphore_mem>>
      %dma_start3A = arith.constant 0 : i32
      %dma_start3A_14 = arith.constant 0 : i32
      %dma_start3A_15 = tpu.memref_slice %arg2[%add3A, %dma_start3A, %dma_start3A_14] : memref<32x125x80xi32, #tpu.memory_space<hbm>> -> memref<1x125x80xi32, #tpu.memory_space<hbm>>
      %dma_start3A_16 = tpu.memref_squeeze %dma_start3A_15 : memref<1x125x80xi32, #tpu.memory_space<hbm>> -> memref<125x80xi32, #tpu.memory_space<hbm>>
      %dma_start3A_17 = arith.constant 0 : i32
      %dma_start3A_18 = arith.constant 0 : i32
      %dma_start3A_19 = tpu.memref_slice %arg2[%add3A, %dma_start3A_17, %dma_start3A_18] : memref<32x125x80xi32, #tpu.memory_space<hbm>> -> memref<1x125x80xi32, #tpu.memory_space<hbm>>
      %dma_start3A_20 = tpu.memref_squeeze %dma_start3A_19 : memref<1x125x80xi32, #tpu.memory_space<hbm>> -> memref<125x80xi32, #tpu.memory_space<hbm>>
      tpu.enqueue_dma source(%dma_start3A_20 : memref<125x80xi32, #tpu.memory_space<hbm>>) target(%arg6 : memref<125x80xi32, #tpu.memory_space<vmem>>) target_semaphore(%run_scoped3A : memref<!tpu.dma_semaphore, #tpu.memory_space<semaphore_mem>>)
      %dma_wait3A = arith.constant 0 : i32
      %dma_wait3A_21 = arith.constant 0 : i32
      %dma_wait3A_22 = tpu.memref_slice %arg2[%add3A, %dma_wait3A, %dma_wait3A_21] : memref<32x125x80xi32, #tpu.memory_space<hbm>> -> memref<1x125x80xi32, #tpu.memory_space<hbm>>
      %dma_wait3A_23 = tpu.memref_squeeze %dma_wait3A_22 : memref<1x125x80xi32, #tpu.memory_space<hbm>> -> memref<125x80xi32, #tpu.memory_space<hbm>>
      %dma_wait3A_24 = arith.constant 0 : i32
      %dma_wait3A_25 = arith.constant 0 : i32
      %dma_wait3A_26 = tpu.memref_slice %arg2[%add3A, %dma_wait3A_24, %dma_wait3A_25] : memref<32x125x80xi32, #tpu.memory_space<hbm>> -> memref<1x125x80xi32, #tpu.memory_space<hbm>>
      %dma_wait3A_27 = tpu.memref_squeeze %dma_wait3A_26 : memref<1x125x80xi32, #tpu.memory_space<hbm>> -> memref<125x80xi32, #tpu.memory_space<hbm>>
      tpu.wait_dma2 semaphore(%run_scoped3A : memref<!tpu.dma_semaphore, #tpu.memory_space<semaphore_mem>>) src(%dma_wait3A_27 : memref<125x80xi32, #tpu.memory_space<hbm>>) dst(%arg6 : memref<125x80xi32, #tpu.memory_space<vmem>>)
      tpu.yield
    }) : () -> ()
    "tpu.region"() ({
      %run_scoped3A = tpu.sem_alloc : memref<!tpu.dma_semaphore, #tpu.memory_space<semaphore_mem>>
      tpu.enqueue_dma source(%arg4 : memref<80x8xf32, #tpu.memory_space<hbm>>) target(%arg7 : memref<80x8xf32, #tpu.memory_space<vmem>>) target_semaphore(%run_scoped3A : memref<!tpu.dma_semaphore, #tpu.memory_space<semaphore_mem>>)
      tpu.wait_dma2 semaphore(%run_scoped3A : memref<!tpu.dma_semaphore, #tpu.memory_space<semaphore_mem>>) src(%arg4 : memref<80x8xf32, #tpu.memory_space<hbm>>) dst(%arg7 : memref<80x8xf32, #tpu.memory_space<vmem>>)
      tpu.yield
    }) : () -> ()
    %eq3A = arith.constant 0 : i32
    %eq3A_1 = arith.cmpi eq, %arg1, %eq3A : i32
    %convert_element_type3A = arith.extui %eq3A_1 : i1 to i32
    %cond3A = arith.constant 0 : i32
    %cond3A_2 = arith.cmpi ne, %convert_element_type3A, %cond3A : i32
    scf.if %cond3A_2 {
      "tpu.region"() ({
        %run_scoped3A = tpu.sem_alloc : memref<!tpu.dma_semaphore, #tpu.memory_space<semaphore_mem>>
        tpu.enqueue_dma source(%arg3 : memref<10000x8xf32, #tpu.memory_space<hbm>>) target(%arg8 : memref<10000x8xf32, #tpu.memory_space<vmem_shared>>) target_semaphore(%run_scoped3A : memref<!tpu.dma_semaphore, #tpu.memory_space<semaphore_mem>>)
        tpu.wait_dma2 semaphore(%run_scoped3A : memref<!tpu.dma_semaphore, #tpu.memory_space<semaphore_mem>>) src(%arg3 : memref<10000x8xf32, #tpu.memory_space<hbm>>) dst(%arg8 : memref<10000x8xf32, #tpu.memory_space<vmem_shared>>)
        tpu.yield
      }) : () -> ()
    } else {
    }
    %barrier3A = arith.constant 0 : index
    tpu.barrier barrier_id(%barrier3A)
    %scan3A = arith.constant 0 : i32
    %scan3A_3 = arith.constant 0 : i32
    %scan3A_4 = arith.constant 125 : i32
    %scan3A_5 = arith.addi %scan3A_3, %scan3A_4 : i32
    %scan3A_6 = arith.constant 1 : i32
    scf.for %scan3A_14 = %scan3A_3 to %scan3A_5 step %scan3A_6  : i32 {
      "tpu.region"() ({
        %run_scoped3A = tpu.sem_alloc : memref<!tpu.dma_semaphore, #tpu.memory_space<semaphore_mem>>
        %dma_start3A = arith.constant 0 : i32
        %dma_start3A_15 = tpu.memref_slice %arg6[%scan3A_14, %dma_start3A] : memref<125x80xi32, #tpu.memory_space<vmem>> -> memref<1x80xi32, #tpu.memory_space<vmem>>
        %dma_start3A_16 = tpu.memref_squeeze %dma_start3A_15 : memref<1x80xi32, #tpu.memory_space<vmem>> -> memref<80xi32, #tpu.memory_space<vmem>>
        %dma_start3A_17 = arith.constant 0 : i32
        %dma_start3A_18 = arith.constant 0 : i32
        %dma_start3A_19 = tpu.memref_slice %arg8[%dma_start3A_17, %dma_start3A_18] : memref<10000x8xf32, #tpu.memory_space<vmem_shared>> -> memref<10000x8xf32, #tpu.memory_space<vmem_shared>>
        tpu.enqueue_indirect_dma source(%arg7 : memref<80x8xf32, #tpu.memory_space<vmem>>) target(%dma_start3A_19 : memref<10000x8xf32, #tpu.memory_space<vmem_shared>>) offsets(%dma_start3A_16 : memref<80xi32, #tpu.memory_space<vmem>>) semaphore(%run_scoped3A : memref<!tpu.dma_semaphore, #tpu.memory_space<semaphore_mem>>) {add = true}
        %dma_wait3A = arith.constant 0 : i32
        %dma_wait3A_20 = tpu.memref_slice %arg6[%scan3A_14, %dma_wait3A] : memref<125x80xi32, #tpu.memory_space<vmem>> -> memref<1x80xi32, #tpu.memory_space<vmem>>
        %dma_wait3A_21 = tpu.memref_squeeze %dma_wait3A_20 : memref<1x80xi32, #tpu.memory_space<vmem>> -> memref<80xi32, #tpu.memory_space<vmem>>
        %dma_wait3A_22 = arith.constant 0 : i32
        %dma_wait3A_23 = arith.constant 0 : i32
        %dma_wait3A_24 = tpu.memref_slice %arg8[%dma_wait3A_22, %dma_wait3A_23] : memref<10000x8xf32, #tpu.memory_space<vmem_shared>> -> memref<10000x8xf32, #tpu.memory_space<vmem_shared>>
        tpu.wait_indirect_dma semaphore(%run_scoped3A : memref<!tpu.dma_semaphore, #tpu.memory_space<semaphore_mem>>) src(%arg7 : memref<80x8xf32, #tpu.memory_space<vmem>>) dst(%dma_wait3A_24 : memref<10000x8xf32, #tpu.memory_space<vmem_shared>>)
        tpu.yield
      }) : () -> ()
    }
    %scan3A_7 = arith.constant 125 : i32
    %barrier3A_8 = arith.constant 0 : index
    tpu.barrier barrier_id(%barrier3A_8)
    %eq3A_9 = arith.constant 0 : i32
    %eq3A_10 = arith.cmpi eq, %arg1, %eq3A_9 : i32
    %convert_element_type3A_11 = arith.extui %eq3A_10 : i1 to i32
    %cond3A_12 = arith.constant 0 : i32
    %cond3A_13 = arith.cmpi ne, %convert_element_type3A_11, %cond3A_12 : i32
    scf.if %cond3A_13 {
      "tpu.region"() ({
        %run_scoped3A = tpu.sem_alloc : memref<!tpu.dma_semaphore, #tpu.memory_space<semaphore_mem>>
        %dma_start3A = arith.constant 0 : i32
        %dma_start3A_14 = arith.constant 0 : i32
        %dma_start3A_15 = tpu.memref_slice %arg5[%arg0, %dma_start3A, %dma_start3A_14] : memref<2x10000x8xf32, #tpu.memory_space<hbm>> -> memref<1x10000x8xf32, #tpu.memory_space<hbm>>
        %dma_start3A_16 = tpu.memref_squeeze %dma_start3A_15 : memref<1x10000x8xf32, #tpu.memory_space<hbm>> -> memref<10000x8xf32, #tpu.memory_space<hbm>>
        tpu.enqueue_dma source(%arg8 : memref<10000x8xf32, #tpu.memory_space<vmem_shared>>) target(%dma_start3A_16 : memref<10000x8xf32, #tpu.memory_space<hbm>>) target_semaphore(%run_scoped3A : memref<!tpu.dma_semaphore, #tpu.memory_space<semaphore_mem>>)
        %dma_wait3A = arith.constant 0 : i32
        %dma_wait3A_17 = arith.constant 0 : i32
        %dma_wait3A_18 = tpu.memref_slice %arg5[%arg0, %dma_wait3A, %dma_wait3A_17] : memref<2x10000x8xf32, #tpu.memory_space<hbm>> -> memref<1x10000x8xf32, #tpu.memory_space<hbm>>
        %dma_wait3A_19 = tpu.memref_squeeze %dma_wait3A_18 : memref<1x10000x8xf32, #tpu.memory_space<hbm>> -> memref<10000x8xf32, #tpu.memory_space<hbm>>
        tpu.wait_dma2 semaphore(%run_scoped3A : memref<!tpu.dma_semaphore, #tpu.memory_space<semaphore_mem>>) src(%arg8 : memref<10000x8xf32, #tpu.memory_space<vmem_shared>>) dst(%dma_wait3A_19 : memref<10000x8xf32, #tpu.memory_space<hbm>>)
        tpu.yield
      }) : () -> ()
    } else {
    }
    return
  }
}

#map = affine_map<(d0, d1) -> (0, 0)>
#map1 = affine_map<(d0, d1) -> (0, 0, 0)>
module attributes {stable_mosaic.version = 14 : i64} {
  func.func @_agg_sc(%arg0: i32, %arg1: i32, %arg2: memref<10000x128xf32, #tpu.memory_space<hbm>>, %arg3: memref<32x125x80xi32, #tpu.memory_space<hbm>>, %arg4: memref<32x125x80xi32, #tpu.memory_space<hbm>>, %arg5: memref<10000x128xf32, #tpu.memory_space<hbm>>, %arg6: memref<2x10000x128xf32, #tpu.memory_space<hbm>>, %arg7: memref<125x80xi32, #tpu.memory_space<vmem>>, %arg8: memref<125x80xi32, #tpu.memory_space<vmem>>, %arg9: memref<80x128xf32, #tpu.memory_space<vmem>>, %arg10: memref<10000x128xf32, #tpu.memory_space<vmem_shared>>, %arg11: memref<!tpu.dma_semaphore, #tpu.memory_space<semaphore_mem>>) attributes {dimension_semantics = [#tpu.dimension_semantics<core_parallel>, #tpu.dimension_semantics<subcore_parallel>], iteration_bounds = array<i64: 2, 16>, scalar_prefetch = 0 : i64, scratch_operands = 5 : i64, tpu.core_type = #tpu.core_type<sc_vector_subcore>, window_params = [{transform_indices = #map}, {transform_indices = #map1}, {transform_indices = #map1}, {transform_indices = #map}, {transform_indices = #map1}]} {
    %mul3A = arith.constant 16 : i32
    %mul3A_0 = arith.muli %arg0, %mul3A : i32
    %add3A = arith.addi %mul3A_0, %arg1 : i32
    "tpu.region"() ({
      %run_scoped3A = tpu.sem_alloc : memref<!tpu.dma_semaphore, #tpu.memory_space<semaphore_mem>>
      %dma_start3A = arith.constant 0 : i32
      %dma_start3A_23 = arith.constant 0 : i32
      %dma_start3A_24 = tpu.memref_slice %arg3[%add3A, %dma_start3A, %dma_start3A_23] : memref<32x125x80xi32, #tpu.memory_space<hbm>> -> memref<1x125x80xi32, #tpu.memory_space<hbm>>
      %dma_start3A_25 = tpu.memref_squeeze %dma_start3A_24 : memref<1x125x80xi32, #tpu.memory_space<hbm>> -> memref<125x80xi32, #tpu.memory_space<hbm>>
      %dma_start3A_26 = arith.constant 0 : i32
      %dma_start3A_27 = arith.constant 0 : i32
      %dma_start3A_28 = tpu.memref_slice %arg3[%add3A, %dma_start3A_26, %dma_start3A_27] : memref<32x125x80xi32, #tpu.memory_space<hbm>> -> memref<1x125x80xi32, #tpu.memory_space<hbm>>
      %dma_start3A_29 = tpu.memref_squeeze %dma_start3A_28 : memref<1x125x80xi32, #tpu.memory_space<hbm>> -> memref<125x80xi32, #tpu.memory_space<hbm>>
      tpu.enqueue_dma source(%dma_start3A_29 : memref<125x80xi32, #tpu.memory_space<hbm>>) target(%arg7 : memref<125x80xi32, #tpu.memory_space<vmem>>) target_semaphore(%run_scoped3A : memref<!tpu.dma_semaphore, #tpu.memory_space<semaphore_mem>>)
      %dma_wait3A = arith.constant 0 : i32
      %dma_wait3A_30 = arith.constant 0 : i32
      %dma_wait3A_31 = tpu.memref_slice %arg3[%add3A, %dma_wait3A, %dma_wait3A_30] : memref<32x125x80xi32, #tpu.memory_space<hbm>> -> memref<1x125x80xi32, #tpu.memory_space<hbm>>
      %dma_wait3A_32 = tpu.memref_squeeze %dma_wait3A_31 : memref<1x125x80xi32, #tpu.memory_space<hbm>> -> memref<125x80xi32, #tpu.memory_space<hbm>>
      %dma_wait3A_33 = arith.constant 0 : i32
      %dma_wait3A_34 = arith.constant 0 : i32
      %dma_wait3A_35 = tpu.memref_slice %arg3[%add3A, %dma_wait3A_33, %dma_wait3A_34] : memref<32x125x80xi32, #tpu.memory_space<hbm>> -> memref<1x125x80xi32, #tpu.memory_space<hbm>>
      %dma_wait3A_36 = tpu.memref_squeeze %dma_wait3A_35 : memref<1x125x80xi32, #tpu.memory_space<hbm>> -> memref<125x80xi32, #tpu.memory_space<hbm>>
      tpu.wait_dma2 semaphore(%run_scoped3A : memref<!tpu.dma_semaphore, #tpu.memory_space<semaphore_mem>>) src(%dma_wait3A_36 : memref<125x80xi32, #tpu.memory_space<hbm>>) dst(%arg7 : memref<125x80xi32, #tpu.memory_space<vmem>>)
      tpu.yield
    }) : () -> ()
    "tpu.region"() ({
      %run_scoped3A = tpu.sem_alloc : memref<!tpu.dma_semaphore, #tpu.memory_space<semaphore_mem>>
      %dma_start3A = arith.constant 0 : i32
      %dma_start3A_23 = arith.constant 0 : i32
      %dma_start3A_24 = tpu.memref_slice %arg4[%add3A, %dma_start3A, %dma_start3A_23] : memref<32x125x80xi32, #tpu.memory_space<hbm>> -> memref<1x125x80xi32, #tpu.memory_space<hbm>>
      %dma_start3A_25 = tpu.memref_squeeze %dma_start3A_24 : memref<1x125x80xi32, #tpu.memory_space<hbm>> -> memref<125x80xi32, #tpu.memory_space<hbm>>
      %dma_start3A_26 = arith.constant 0 : i32
      %dma_start3A_27 = arith.constant 0 : i32
      %dma_start3A_28 = tpu.memref_slice %arg4[%add3A, %dma_start3A_26, %dma_start3A_27] : memref<32x125x80xi32, #tpu.memory_space<hbm>> -> memref<1x125x80xi32, #tpu.memory_space<hbm>>
      %dma_start3A_29 = tpu.memref_squeeze %dma_start3A_28 : memref<1x125x80xi32, #tpu.memory_space<hbm>> -> memref<125x80xi32, #tpu.memory_space<hbm>>
      tpu.enqueue_dma source(%dma_start3A_29 : memref<125x80xi32, #tpu.memory_space<hbm>>) target(%arg8 : memref<125x80xi32, #tpu.memory_space<vmem>>) target_semaphore(%run_scoped3A : memref<!tpu.dma_semaphore, #tpu.memory_space<semaphore_mem>>)
      %dma_wait3A = arith.constant 0 : i32
      %dma_wait3A_30 = arith.constant 0 : i32
      %dma_wait3A_31 = tpu.memref_slice %arg4[%add3A, %dma_wait3A, %dma_wait3A_30] : memref<32x125x80xi32, #tpu.memory_space<hbm>> -> memref<1x125x80xi32, #tpu.memory_space<hbm>>
      %dma_wait3A_32 = tpu.memref_squeeze %dma_wait3A_31 : memref<1x125x80xi32, #tpu.memory_space<hbm>> -> memref<125x80xi32, #tpu.memory_space<hbm>>
      %dma_wait3A_33 = arith.constant 0 : i32
      %dma_wait3A_34 = arith.constant 0 : i32
      %dma_wait3A_35 = tpu.memref_slice %arg4[%add3A, %dma_wait3A_33, %dma_wait3A_34] : memref<32x125x80xi32, #tpu.memory_space<hbm>> -> memref<1x125x80xi32, #tpu.memory_space<hbm>>
      %dma_wait3A_36 = tpu.memref_squeeze %dma_wait3A_35 : memref<1x125x80xi32, #tpu.memory_space<hbm>> -> memref<125x80xi32, #tpu.memory_space<hbm>>
      tpu.wait_dma2 semaphore(%run_scoped3A : memref<!tpu.dma_semaphore, #tpu.memory_space<semaphore_mem>>) src(%dma_wait3A_36 : memref<125x80xi32, #tpu.memory_space<hbm>>) dst(%arg8 : memref<125x80xi32, #tpu.memory_space<vmem>>)
      tpu.yield
    }) : () -> ()
    %lt3A = arith.constant 15 : i32
    %lt3A_1 = arith.cmpi slt, %arg1, %lt3A : i32
    %convert_element_type3A = arith.extui %lt3A_1 : i1 to i32
    %cond3A = arith.constant 0 : i32
    %cond3A_2 = arith.cmpi ne, %convert_element_type3A, %cond3A : i32
    scf.if %cond3A_2 {
      %mul3A_23 = arith.constant 624 : i32
      %mul3A_24 = arith.muli %arg1, %mul3A_23 : i32
      %mul3A_25 = arith.constant 624 : i32
      %mul3A_26 = arith.muli %arg1, %mul3A_25 : i32
      "tpu.region"() ({
        %run_scoped3A = tpu.sem_alloc : memref<!tpu.dma_semaphore, #tpu.memory_space<semaphore_mem>>
        %dma_start3A = arith.constant 0 : i32
        %dma_start3A_27 = tpu.memref_slice %arg10[%mul3A_26, %dma_start3A] : memref<10000x128xf32, #tpu.memory_space<vmem_shared>> -> memref<624x128xf32, #tpu.memory_space<vmem_shared>>
        %dma_start3A_28 = arith.constant 0 : i32
        %dma_start3A_29 = tpu.memref_slice %arg5[%mul3A_24, %dma_start3A_28] : memref<10000x128xf32, #tpu.memory_space<hbm>> -> memref<624x128xf32, #tpu.memory_space<hbm>>
        tpu.enqueue_dma source(%dma_start3A_29 : memref<624x128xf32, #tpu.memory_space<hbm>>) target(%dma_start3A_27 : memref<624x128xf32, #tpu.memory_space<vmem_shared>>) target_semaphore(%run_scoped3A : memref<!tpu.dma_semaphore, #tpu.memory_space<semaphore_mem>>)
        %dma_wait3A = arith.constant 0 : i32
        %dma_wait3A_30 = tpu.memref_slice %arg10[%mul3A_26, %dma_wait3A] : memref<10000x128xf32, #tpu.memory_space<vmem_shared>> -> memref<624x128xf32, #tpu.memory_space<vmem_shared>>
        %dma_wait3A_31 = arith.constant 0 : i32
        %dma_wait3A_32 = tpu.memref_slice %arg5[%mul3A_24, %dma_wait3A_31] : memref<10000x128xf32, #tpu.memory_space<hbm>> -> memref<624x128xf32, #tpu.memory_space<hbm>>
        tpu.wait_dma2 semaphore(%run_scoped3A : memref<!tpu.dma_semaphore, #tpu.memory_space<semaphore_mem>>) src(%dma_wait3A_32 : memref<624x128xf32, #tpu.memory_space<hbm>>) dst(%dma_wait3A_30 : memref<624x128xf32, #tpu.memory_space<vmem_shared>>)
        tpu.yield
      }) : () -> ()
    } else {
    }
    %eq3A = arith.constant 15 : i32
    %eq3A_3 = arith.cmpi eq, %arg1, %eq3A : i32
    %convert_element_type3A_4 = arith.extui %eq3A_3 : i1 to i32
    %cond3A_5 = arith.constant 0 : i32
    %cond3A_6 = arith.cmpi ne, %convert_element_type3A_4, %cond3A_5 : i32
    scf.if %cond3A_6 {
      "tpu.region"() ({
        %run_scoped3A = tpu.sem_alloc : memref<!tpu.dma_semaphore, #tpu.memory_space<semaphore_mem>>
        %dma_start3A = arith.constant 9360 : i32
        %dma_start3A_23 = arith.constant 0 : i32
        %dma_start3A_24 = tpu.memref_slice %arg10[%dma_start3A, %dma_start3A_23] : memref<10000x128xf32, #tpu.memory_space<vmem_shared>> -> memref<640x128xf32, #tpu.memory_space<vmem_shared>>
        %dma_start3A_25 = arith.constant 9360 : i32
        %dma_start3A_26 = arith.constant 0 : i32
        %dma_start3A_27 = tpu.memref_slice %arg5[%dma_start3A_25, %dma_start3A_26] : memref<10000x128xf32, #tpu.memory_space<hbm>> -> memref<640x128xf32, #tpu.memory_space<hbm>>
        tpu.enqueue_dma source(%dma_start3A_27 : memref<640x128xf32, #tpu.memory_space<hbm>>) target(%dma_start3A_24 : memref<640x128xf32, #tpu.memory_space<vmem_shared>>) target_semaphore(%run_scoped3A : memref<!tpu.dma_semaphore, #tpu.memory_space<semaphore_mem>>)
        %dma_wait3A = arith.constant 9360 : i32
        %dma_wait3A_28 = arith.constant 0 : i32
        %dma_wait3A_29 = tpu.memref_slice %arg10[%dma_wait3A, %dma_wait3A_28] : memref<10000x128xf32, #tpu.memory_space<vmem_shared>> -> memref<640x128xf32, #tpu.memory_space<vmem_shared>>
        %dma_wait3A_30 = arith.constant 9360 : i32
        %dma_wait3A_31 = arith.constant 0 : i32
        %dma_wait3A_32 = tpu.memref_slice %arg5[%dma_wait3A_30, %dma_wait3A_31] : memref<10000x128xf32, #tpu.memory_space<hbm>> -> memref<640x128xf32, #tpu.memory_space<hbm>>
        tpu.wait_dma2 semaphore(%run_scoped3A : memref<!tpu.dma_semaphore, #tpu.memory_space<semaphore_mem>>) src(%dma_wait3A_32 : memref<640x128xf32, #tpu.memory_space<hbm>>) dst(%dma_wait3A_29 : memref<640x128xf32, #tpu.memory_space<vmem_shared>>)
        tpu.yield
      }) : () -> ()
    } else {
    }
    %barrier3A = arith.constant 0 : index
    tpu.barrier barrier_id(%barrier3A)
    %scan3A = arith.constant 0 : i32
    %scan3A_7 = arith.constant 0 : i32
    %scan3A_8 = arith.constant 125 : i32
    %scan3A_9 = arith.addi %scan3A_7, %scan3A_8 : i32
    %scan3A_10 = arith.constant 1 : i32
    scf.for %scan3A_23 = %scan3A_7 to %scan3A_9 step %scan3A_10  : i32 {
      %dma_start3A = arith.constant 0 : i32
      %dma_start3A_24 = tpu.memref_slice %arg7[%scan3A_23, %dma_start3A] : memref<125x80xi32, #tpu.memory_space<vmem>> -> memref<1x80xi32, #tpu.memory_space<vmem>>
      %dma_start3A_25 = tpu.memref_squeeze %dma_start3A_24 : memref<1x80xi32, #tpu.memory_space<vmem>> -> memref<80xi32, #tpu.memory_space<vmem>>
      %dma_start3A_26 = arith.constant 0 : i32
      %dma_start3A_27 = arith.constant 0 : i32
      %dma_start3A_28 = tpu.memref_slice %arg2[%dma_start3A_26, %dma_start3A_27] : memref<10000x128xf32, #tpu.memory_space<hbm>> -> memref<10000x128xf32, #tpu.memory_space<hbm>>
      tpu.enqueue_indirect_dma source(%dma_start3A_28 : memref<10000x128xf32, #tpu.memory_space<hbm>>) target(%arg9 : memref<80x128xf32, #tpu.memory_space<vmem>>) offsets(%dma_start3A_25 : memref<80xi32, #tpu.memory_space<vmem>>) semaphore(%arg11 : memref<!tpu.dma_semaphore, #tpu.memory_space<semaphore_mem>>)
      %dma_wait3A = arith.constant 0 : i32
      %dma_wait3A_29 = tpu.memref_slice %arg7[%scan3A_23, %dma_wait3A] : memref<125x80xi32, #tpu.memory_space<vmem>> -> memref<1x80xi32, #tpu.memory_space<vmem>>
      %dma_wait3A_30 = tpu.memref_squeeze %dma_wait3A_29 : memref<1x80xi32, #tpu.memory_space<vmem>> -> memref<80xi32, #tpu.memory_space<vmem>>
      %dma_wait3A_31 = arith.constant 0 : i32
      %dma_wait3A_32 = arith.constant 0 : i32
      %dma_wait3A_33 = tpu.memref_slice %arg2[%dma_wait3A_31, %dma_wait3A_32] : memref<10000x128xf32, #tpu.memory_space<hbm>> -> memref<10000x128xf32, #tpu.memory_space<hbm>>
      tpu.wait_indirect_dma semaphore(%arg11 : memref<!tpu.dma_semaphore, #tpu.memory_space<semaphore_mem>>) src(%dma_wait3A_33 : memref<10000x128xf32, #tpu.memory_space<hbm>>) dst(%arg9 : memref<80x128xf32, #tpu.memory_space<vmem>>)
      "tpu.region"() ({
        %run_scoped3A = tpu.sem_alloc : memref<!tpu.dma_semaphore, #tpu.memory_space<semaphore_mem>>
        %dma_start3A_34 = arith.constant 0 : i32
        %dma_start3A_35 = tpu.memref_slice %arg8[%scan3A_23, %dma_start3A_34] : memref<125x80xi32, #tpu.memory_space<vmem>> -> memref<1x80xi32, #tpu.memory_space<vmem>>
        %dma_start3A_36 = tpu.memref_squeeze %dma_start3A_35 : memref<1x80xi32, #tpu.memory_space<vmem>> -> memref<80xi32, #tpu.memory_space<vmem>>
        %dma_start3A_37 = arith.constant 0 : i32
        %dma_start3A_38 = arith.constant 0 : i32
        %dma_start3A_39 = tpu.memref_slice %arg10[%dma_start3A_37, %dma_start3A_38] : memref<10000x128xf32, #tpu.memory_space<vmem_shared>> -> memref<10000x128xf32, #tpu.memory_space<vmem_shared>>
        tpu.enqueue_indirect_dma source(%arg9 : memref<80x128xf32, #tpu.memory_space<vmem>>) target(%dma_start3A_39 : memref<10000x128xf32, #tpu.memory_space<vmem_shared>>) offsets(%dma_start3A_36 : memref<80xi32, #tpu.memory_space<vmem>>) semaphore(%run_scoped3A : memref<!tpu.dma_semaphore, #tpu.memory_space<semaphore_mem>>) {add = true}
        %dma_wait3A_40 = arith.constant 0 : i32
        %dma_wait3A_41 = tpu.memref_slice %arg8[%scan3A_23, %dma_wait3A_40] : memref<125x80xi32, #tpu.memory_space<vmem>> -> memref<1x80xi32, #tpu.memory_space<vmem>>
        %dma_wait3A_42 = tpu.memref_squeeze %dma_wait3A_41 : memref<1x80xi32, #tpu.memory_space<vmem>> -> memref<80xi32, #tpu.memory_space<vmem>>
        %dma_wait3A_43 = arith.constant 0 : i32
        %dma_wait3A_44 = arith.constant 0 : i32
        %dma_wait3A_45 = tpu.memref_slice %arg10[%dma_wait3A_43, %dma_wait3A_44] : memref<10000x128xf32, #tpu.memory_space<vmem_shared>> -> memref<10000x128xf32, #tpu.memory_space<vmem_shared>>
        tpu.wait_indirect_dma semaphore(%run_scoped3A : memref<!tpu.dma_semaphore, #tpu.memory_space<semaphore_mem>>) src(%arg9 : memref<80x128xf32, #tpu.memory_space<vmem>>) dst(%dma_wait3A_45 : memref<10000x128xf32, #tpu.memory_space<vmem_shared>>)
        tpu.yield
      }) : () -> ()
    }
    %scan3A_11 = arith.constant 125 : i32
    %barrier3A_12 = arith.constant 0 : index
    tpu.barrier barrier_id(%barrier3A_12)
    %lt3A_13 = arith.constant 15 : i32
    %lt3A_14 = arith.cmpi slt, %arg1, %lt3A_13 : i32
    %convert_element_type3A_15 = arith.extui %lt3A_14 : i1 to i32
    %cond3A_16 = arith.constant 0 : i32
    %cond3A_17 = arith.cmpi ne, %convert_element_type3A_15, %cond3A_16 : i32
    scf.if %cond3A_17 {
      %mul3A_23 = arith.constant 624 : i32
      %mul3A_24 = arith.muli %arg1, %mul3A_23 : i32
      %mul3A_25 = arith.constant 624 : i32
      %mul3A_26 = arith.muli %arg1, %mul3A_25 : i32
      "tpu.region"() ({
        %run_scoped3A = tpu.sem_alloc : memref<!tpu.dma_semaphore, #tpu.memory_space<semaphore_mem>>
        %dma_start3A = arith.constant 0 : i32
        %dma_start3A_27 = tpu.memref_slice %arg6[%arg0, %mul3A_26, %dma_start3A] : memref<2x10000x128xf32, #tpu.memory_space<hbm>> -> memref<1x624x128xf32, #tpu.memory_space<hbm>>
        %dma_start3A_28 = tpu.memref_squeeze %dma_start3A_27 : memref<1x624x128xf32, #tpu.memory_space<hbm>> -> memref<624x128xf32, #tpu.memory_space<hbm>>
        %dma_start3A_29 = arith.constant 0 : i32
        %dma_start3A_30 = tpu.memref_slice %arg10[%mul3A_24, %dma_start3A_29] : memref<10000x128xf32, #tpu.memory_space<vmem_shared>> -> memref<624x128xf32, #tpu.memory_space<vmem_shared>>
        tpu.enqueue_dma source(%dma_start3A_30 : memref<624x128xf32, #tpu.memory_space<vmem_shared>>) target(%dma_start3A_28 : memref<624x128xf32, #tpu.memory_space<hbm>>) target_semaphore(%run_scoped3A : memref<!tpu.dma_semaphore, #tpu.memory_space<semaphore_mem>>)
        %dma_wait3A = arith.constant 0 : i32
        %dma_wait3A_31 = tpu.memref_slice %arg6[%arg0, %mul3A_26, %dma_wait3A] : memref<2x10000x128xf32, #tpu.memory_space<hbm>> -> memref<1x624x128xf32, #tpu.memory_space<hbm>>
        %dma_wait3A_32 = tpu.memref_squeeze %dma_wait3A_31 : memref<1x624x128xf32, #tpu.memory_space<hbm>> -> memref<624x128xf32, #tpu.memory_space<hbm>>
        %dma_wait3A_33 = arith.constant 0 : i32
        %dma_wait3A_34 = tpu.memref_slice %arg10[%mul3A_24, %dma_wait3A_33] : memref<10000x128xf32, #tpu.memory_space<vmem_shared>> -> memref<624x128xf32, #tpu.memory_space<vmem_shared>>
        tpu.wait_dma2 semaphore(%run_scoped3A : memref<!tpu.dma_semaphore, #tpu.memory_space<semaphore_mem>>) src(%dma_wait3A_34 : memref<624x128xf32, #tpu.memory_space<vmem_shared>>) dst(%dma_wait3A_32 : memref<624x128xf32, #tpu.memory_space<hbm>>)
        tpu.yield
      }) : () -> ()
    } else {
    }
    %eq3A_18 = arith.constant 15 : i32
    %eq3A_19 = arith.cmpi eq, %arg1, %eq3A_18 : i32
    %convert_element_type3A_20 = arith.extui %eq3A_19 : i1 to i32
    %cond3A_21 = arith.constant 0 : i32
    %cond3A_22 = arith.cmpi ne, %convert_element_type3A_20, %cond3A_21 : i32
    scf.if %cond3A_22 {
      "tpu.region"() ({
        %run_scoped3A = tpu.sem_alloc : memref<!tpu.dma_semaphore, #tpu.memory_space<semaphore_mem>>
        %dma_start3A = arith.constant 9360 : i32
        %dma_start3A_23 = arith.constant 0 : i32
        %dma_start3A_24 = tpu.memref_slice %arg6[%arg0, %dma_start3A, %dma_start3A_23] : memref<2x10000x128xf32, #tpu.memory_space<hbm>> -> memref<1x640x128xf32, #tpu.memory_space<hbm>>
        %dma_start3A_25 = tpu.memref_squeeze %dma_start3A_24 : memref<1x640x128xf32, #tpu.memory_space<hbm>> -> memref<640x128xf32, #tpu.memory_space<hbm>>
        %dma_start3A_26 = arith.constant 9360 : i32
        %dma_start3A_27 = arith.constant 0 : i32
        %dma_start3A_28 = tpu.memref_slice %arg10[%dma_start3A_26, %dma_start3A_27] : memref<10000x128xf32, #tpu.memory_space<vmem_shared>> -> memref<640x128xf32, #tpu.memory_space<vmem_shared>>
        tpu.enqueue_dma source(%dma_start3A_28 : memref<640x128xf32, #tpu.memory_space<vmem_shared>>) target(%dma_start3A_25 : memref<640x128xf32, #tpu.memory_space<hbm>>) target_semaphore(%run_scoped3A : memref<!tpu.dma_semaphore, #tpu.memory_space<semaphore_mem>>)
        %dma_wait3A = arith.constant 9360 : i32
        %dma_wait3A_29 = arith.constant 0 : i32
        %dma_wait3A_30 = tpu.memref_slice %arg6[%arg0, %dma_wait3A, %dma_wait3A_29] : memref<2x10000x128xf32, #tpu.memory_space<hbm>> -> memref<1x640x128xf32, #tpu.memory_space<hbm>>
        %dma_wait3A_31 = tpu.memref_squeeze %dma_wait3A_30 : memref<1x640x128xf32, #tpu.memory_space<hbm>> -> memref<640x128xf32, #tpu.memory_space<hbm>>
        %dma_wait3A_32 = arith.constant 9360 : i32
        %dma_wait3A_33 = arith.constant 0 : i32
        %dma_wait3A_34 = tpu.memref_slice %arg10[%dma_wait3A_32, %dma_wait3A_33] : memref<10000x128xf32, #tpu.memory_space<vmem_shared>> -> memref<640x128xf32, #tpu.memory_space<vmem_shared>>
        tpu.wait_dma2 semaphore(%run_scoped3A : memref<!tpu.dma_semaphore, #tpu.memory_space<semaphore_mem>>) src(%dma_wait3A_34 : memref<640x128xf32, #tpu.memory_space<vmem_shared>>) dst(%dma_wait3A_31 : memref<640x128xf32, #tpu.memory_space<hbm>>)
        tpu.yield
      }) : () -> ()
    } else {
    }
    return
  }
}

#map = affine_map<(d0, d1) -> (0, 0)>
#map1 = affine_map<(d0, d1) -> (0, 0, 0)>
module attributes {stable_mosaic.version = 14 : i64} {
  func.func @_agg_sc(%arg0: i32, %arg1: i32, %arg2: memref<10000x128xf32, #tpu.memory_space<hbm>>, %arg3: memref<32x125x80xi32, #tpu.memory_space<hbm>>, %arg4: memref<32x125x80xi32, #tpu.memory_space<hbm>>, %arg5: memref<10000x128xf32, #tpu.memory_space<hbm>>, %arg6: memref<2x10000x128xf32, #tpu.memory_space<hbm>>, %arg7: memref<125x80xi32, #tpu.memory_space<vmem>>, %arg8: memref<125x80xi32, #tpu.memory_space<vmem>>, %arg9: memref<80x128xf32, #tpu.memory_space<vmem>>, %arg10: memref<10000x128xf32, #tpu.memory_space<vmem_shared>>, %arg11: memref<!tpu.dma_semaphore, #tpu.memory_space<semaphore_mem>>) attributes {dimension_semantics = [#tpu.dimension_semantics<core_parallel>, #tpu.dimension_semantics<subcore_parallel>], iteration_bounds = array<i64: 2, 16>, scalar_prefetch = 0 : i64, scratch_operands = 5 : i64, tpu.core_type = #tpu.core_type<sc_vector_subcore>, window_params = [{transform_indices = #map}, {transform_indices = #map1}, {transform_indices = #map1}, {transform_indices = #map}, {transform_indices = #map1}]} {
    %mul3A = arith.constant 16 : i32
    %mul3A_0 = arith.muli %arg0, %mul3A : i32
    %add3A = arith.addi %mul3A_0, %arg1 : i32
    "tpu.region"() ({
      %run_scoped3A = tpu.sem_alloc : memref<!tpu.dma_semaphore, #tpu.memory_space<semaphore_mem>>
      %dma_start3A = arith.constant 0 : i32
      %dma_start3A_23 = arith.constant 0 : i32
      %dma_start3A_24 = tpu.memref_slice %arg3[%add3A, %dma_start3A, %dma_start3A_23] : memref<32x125x80xi32, #tpu.memory_space<hbm>> -> memref<1x125x80xi32, #tpu.memory_space<hbm>>
      %dma_start3A_25 = tpu.memref_squeeze %dma_start3A_24 : memref<1x125x80xi32, #tpu.memory_space<hbm>> -> memref<125x80xi32, #tpu.memory_space<hbm>>
      %dma_start3A_26 = arith.constant 0 : i32
      %dma_start3A_27 = arith.constant 0 : i32
      %dma_start3A_28 = tpu.memref_slice %arg3[%add3A, %dma_start3A_26, %dma_start3A_27] : memref<32x125x80xi32, #tpu.memory_space<hbm>> -> memref<1x125x80xi32, #tpu.memory_space<hbm>>
      %dma_start3A_29 = tpu.memref_squeeze %dma_start3A_28 : memref<1x125x80xi32, #tpu.memory_space<hbm>> -> memref<125x80xi32, #tpu.memory_space<hbm>>
      tpu.enqueue_dma source(%dma_start3A_29 : memref<125x80xi32, #tpu.memory_space<hbm>>) target(%arg7 : memref<125x80xi32, #tpu.memory_space<vmem>>) target_semaphore(%run_scoped3A : memref<!tpu.dma_semaphore, #tpu.memory_space<semaphore_mem>>)
      %dma_wait3A = arith.constant 0 : i32
      %dma_wait3A_30 = arith.constant 0 : i32
      %dma_wait3A_31 = tpu.memref_slice %arg3[%add3A, %dma_wait3A, %dma_wait3A_30] : memref<32x125x80xi32, #tpu.memory_space<hbm>> -> memref<1x125x80xi32, #tpu.memory_space<hbm>>
      %dma_wait3A_32 = tpu.memref_squeeze %dma_wait3A_31 : memref<1x125x80xi32, #tpu.memory_space<hbm>> -> memref<125x80xi32, #tpu.memory_space<hbm>>
      %dma_wait3A_33 = arith.constant 0 : i32
      %dma_wait3A_34 = arith.constant 0 : i32
      %dma_wait3A_35 = tpu.memref_slice %arg3[%add3A, %dma_wait3A_33, %dma_wait3A_34] : memref<32x125x80xi32, #tpu.memory_space<hbm>> -> memref<1x125x80xi32, #tpu.memory_space<hbm>>
      %dma_wait3A_36 = tpu.memref_squeeze %dma_wait3A_35 : memref<1x125x80xi32, #tpu.memory_space<hbm>> -> memref<125x80xi32, #tpu.memory_space<hbm>>
      tpu.wait_dma2 semaphore(%run_scoped3A : memref<!tpu.dma_semaphore, #tpu.memory_space<semaphore_mem>>) src(%dma_wait3A_36 : memref<125x80xi32, #tpu.memory_space<hbm>>) dst(%arg7 : memref<125x80xi32, #tpu.memory_space<vmem>>)
      tpu.yield
    }) : () -> ()
    "tpu.region"() ({
      %run_scoped3A = tpu.sem_alloc : memref<!tpu.dma_semaphore, #tpu.memory_space<semaphore_mem>>
      %dma_start3A = arith.constant 0 : i32
      %dma_start3A_23 = arith.constant 0 : i32
      %dma_start3A_24 = tpu.memref_slice %arg4[%add3A, %dma_start3A, %dma_start3A_23] : memref<32x125x80xi32, #tpu.memory_space<hbm>> -> memref<1x125x80xi32, #tpu.memory_space<hbm>>
      %dma_start3A_25 = tpu.memref_squeeze %dma_start3A_24 : memref<1x125x80xi32, #tpu.memory_space<hbm>> -> memref<125x80xi32, #tpu.memory_space<hbm>>
      %dma_start3A_26 = arith.constant 0 : i32
      %dma_start3A_27 = arith.constant 0 : i32
      %dma_start3A_28 = tpu.memref_slice %arg4[%add3A, %dma_start3A_26, %dma_start3A_27] : memref<32x125x80xi32, #tpu.memory_space<hbm>> -> memref<1x125x80xi32, #tpu.memory_space<hbm>>
      %dma_start3A_29 = tpu.memref_squeeze %dma_start3A_28 : memref<1x125x80xi32, #tpu.memory_space<hbm>> -> memref<125x80xi32, #tpu.memory_space<hbm>>
      tpu.enqueue_dma source(%dma_start3A_29 : memref<125x80xi32, #tpu.memory_space<hbm>>) target(%arg8 : memref<125x80xi32, #tpu.memory_space<vmem>>) target_semaphore(%run_scoped3A : memref<!tpu.dma_semaphore, #tpu.memory_space<semaphore_mem>>)
      %dma_wait3A = arith.constant 0 : i32
      %dma_wait3A_30 = arith.constant 0 : i32
      %dma_wait3A_31 = tpu.memref_slice %arg4[%add3A, %dma_wait3A, %dma_wait3A_30] : memref<32x125x80xi32, #tpu.memory_space<hbm>> -> memref<1x125x80xi32, #tpu.memory_space<hbm>>
      %dma_wait3A_32 = tpu.memref_squeeze %dma_wait3A_31 : memref<1x125x80xi32, #tpu.memory_space<hbm>> -> memref<125x80xi32, #tpu.memory_space<hbm>>
      %dma_wait3A_33 = arith.constant 0 : i32
      %dma_wait3A_34 = arith.constant 0 : i32
      %dma_wait3A_35 = tpu.memref_slice %arg4[%add3A, %dma_wait3A_33, %dma_wait3A_34] : memref<32x125x80xi32, #tpu.memory_space<hbm>> -> memref<1x125x80xi32, #tpu.memory_space<hbm>>
      %dma_wait3A_36 = tpu.memref_squeeze %dma_wait3A_35 : memref<1x125x80xi32, #tpu.memory_space<hbm>> -> memref<125x80xi32, #tpu.memory_space<hbm>>
      tpu.wait_dma2 semaphore(%run_scoped3A : memref<!tpu.dma_semaphore, #tpu.memory_space<semaphore_mem>>) src(%dma_wait3A_36 : memref<125x80xi32, #tpu.memory_space<hbm>>) dst(%arg8 : memref<125x80xi32, #tpu.memory_space<vmem>>)
      tpu.yield
    }) : () -> ()
    %lt3A = arith.constant 15 : i32
    %lt3A_1 = arith.cmpi slt, %arg1, %lt3A : i32
    %convert_element_type3A = arith.extui %lt3A_1 : i1 to i32
    %cond3A = arith.constant 0 : i32
    %cond3A_2 = arith.cmpi ne, %convert_element_type3A, %cond3A : i32
    scf.if %cond3A_2 {
      %mul3A_23 = arith.constant 624 : i32
      %mul3A_24 = arith.muli %arg1, %mul3A_23 : i32
      %mul3A_25 = arith.constant 624 : i32
      %mul3A_26 = arith.muli %arg1, %mul3A_25 : i32
      "tpu.region"() ({
        %run_scoped3A = tpu.sem_alloc : memref<!tpu.dma_semaphore, #tpu.memory_space<semaphore_mem>>
        %dma_start3A = arith.constant 0 : i32
        %dma_start3A_27 = tpu.memref_slice %arg10[%mul3A_26, %dma_start3A] : memref<10000x128xf32, #tpu.memory_space<vmem_shared>> -> memref<624x128xf32, #tpu.memory_space<vmem_shared>>
        %dma_start3A_28 = arith.constant 0 : i32
        %dma_start3A_29 = tpu.memref_slice %arg5[%mul3A_24, %dma_start3A_28] : memref<10000x128xf32, #tpu.memory_space<hbm>> -> memref<624x128xf32, #tpu.memory_space<hbm>>
        tpu.enqueue_dma source(%dma_start3A_29 : memref<624x128xf32, #tpu.memory_space<hbm>>) target(%dma_start3A_27 : memref<624x128xf32, #tpu.memory_space<vmem_shared>>) target_semaphore(%run_scoped3A : memref<!tpu.dma_semaphore, #tpu.memory_space<semaphore_mem>>)
        %dma_wait3A = arith.constant 0 : i32
        %dma_wait3A_30 = tpu.memref_slice %arg10[%mul3A_26, %dma_wait3A] : memref<10000x128xf32, #tpu.memory_space<vmem_shared>> -> memref<624x128xf32, #tpu.memory_space<vmem_shared>>
        %dma_wait3A_31 = arith.constant 0 : i32
        %dma_wait3A_32 = tpu.memref_slice %arg5[%mul3A_24, %dma_wait3A_31] : memref<10000x128xf32, #tpu.memory_space<hbm>> -> memref<624x128xf32, #tpu.memory_space<hbm>>
        tpu.wait_dma2 semaphore(%run_scoped3A : memref<!tpu.dma_semaphore, #tpu.memory_space<semaphore_mem>>) src(%dma_wait3A_32 : memref<624x128xf32, #tpu.memory_space<hbm>>) dst(%dma_wait3A_30 : memref<624x128xf32, #tpu.memory_space<vmem_shared>>)
        tpu.yield
      }) : () -> ()
    } else {
    }
    %eq3A = arith.constant 15 : i32
    %eq3A_3 = arith.cmpi eq, %arg1, %eq3A : i32
    %convert_element_type3A_4 = arith.extui %eq3A_3 : i1 to i32
    %cond3A_5 = arith.constant 0 : i32
    %cond3A_6 = arith.cmpi ne, %convert_element_type3A_4, %cond3A_5 : i32
    scf.if %cond3A_6 {
      "tpu.region"() ({
        %run_scoped3A = tpu.sem_alloc : memref<!tpu.dma_semaphore, #tpu.memory_space<semaphore_mem>>
        %dma_start3A = arith.constant 9360 : i32
        %dma_start3A_23 = arith.constant 0 : i32
        %dma_start3A_24 = tpu.memref_slice %arg10[%dma_start3A, %dma_start3A_23] : memref<10000x128xf32, #tpu.memory_space<vmem_shared>> -> memref<640x128xf32, #tpu.memory_space<vmem_shared>>
        %dma_start3A_25 = arith.constant 9360 : i32
        %dma_start3A_26 = arith.constant 0 : i32
        %dma_start3A_27 = tpu.memref_slice %arg5[%dma_start3A_25, %dma_start3A_26] : memref<10000x128xf32, #tpu.memory_space<hbm>> -> memref<640x128xf32, #tpu.memory_space<hbm>>
        tpu.enqueue_dma source(%dma_start3A_27 : memref<640x128xf32, #tpu.memory_space<hbm>>) target(%dma_start3A_24 : memref<640x128xf32, #tpu.memory_space<vmem_shared>>) target_semaphore(%run_scoped3A : memref<!tpu.dma_semaphore, #tpu.memory_space<semaphore_mem>>)
        %dma_wait3A = arith.constant 9360 : i32
        %dma_wait3A_28 = arith.constant 0 : i32
        %dma_wait3A_29 = tpu.memref_slice %arg10[%dma_wait3A, %dma_wait3A_28] : memref<10000x128xf32, #tpu.memory_space<vmem_shared>> -> memref<640x128xf32, #tpu.memory_space<vmem_shared>>
        %dma_wait3A_30 = arith.constant 9360 : i32
        %dma_wait3A_31 = arith.constant 0 : i32
        %dma_wait3A_32 = tpu.memref_slice %arg5[%dma_wait3A_30, %dma_wait3A_31] : memref<10000x128xf32, #tpu.memory_space<hbm>> -> memref<640x128xf32, #tpu.memory_space<hbm>>
        tpu.wait_dma2 semaphore(%run_scoped3A : memref<!tpu.dma_semaphore, #tpu.memory_space<semaphore_mem>>) src(%dma_wait3A_32 : memref<640x128xf32, #tpu.memory_space<hbm>>) dst(%dma_wait3A_29 : memref<640x128xf32, #tpu.memory_space<vmem_shared>>)
        tpu.yield
      }) : () -> ()
    } else {
    }
    %barrier3A = arith.constant 0 : index
    tpu.barrier barrier_id(%barrier3A)
    %scan3A = arith.constant 0 : i32
    %scan3A_7 = arith.constant 0 : i32
    %scan3A_8 = arith.constant 125 : i32
    %scan3A_9 = arith.addi %scan3A_7, %scan3A_8 : i32
    %scan3A_10 = arith.constant 1 : i32
    scf.for %scan3A_23 = %scan3A_7 to %scan3A_9 step %scan3A_10  : i32 {
      %dma_start3A = arith.constant 0 : i32
      %dma_start3A_24 = tpu.memref_slice %arg7[%scan3A_23, %dma_start3A] : memref<125x80xi32, #tpu.memory_space<vmem>> -> memref<1x80xi32, #tpu.memory_space<vmem>>
      %dma_start3A_25 = tpu.memref_squeeze %dma_start3A_24 : memref<1x80xi32, #tpu.memory_space<vmem>> -> memref<80xi32, #tpu.memory_space<vmem>>
      %dma_start3A_26 = arith.constant 0 : i32
      %dma_start3A_27 = arith.constant 0 : i32
      %dma_start3A_28 = tpu.memref_slice %arg2[%dma_start3A_26, %dma_start3A_27] : memref<10000x128xf32, #tpu.memory_space<hbm>> -> memref<10000x128xf32, #tpu.memory_space<hbm>>
      tpu.enqueue_indirect_dma source(%dma_start3A_28 : memref<10000x128xf32, #tpu.memory_space<hbm>>) target(%arg9 : memref<80x128xf32, #tpu.memory_space<vmem>>) offsets(%dma_start3A_25 : memref<80xi32, #tpu.memory_space<vmem>>) semaphore(%arg11 : memref<!tpu.dma_semaphore, #tpu.memory_space<semaphore_mem>>)
      %dma_wait3A = arith.constant 0 : i32
      %dma_wait3A_29 = tpu.memref_slice %arg7[%scan3A_23, %dma_wait3A] : memref<125x80xi32, #tpu.memory_space<vmem>> -> memref<1x80xi32, #tpu.memory_space<vmem>>
      %dma_wait3A_30 = tpu.memref_squeeze %dma_wait3A_29 : memref<1x80xi32, #tpu.memory_space<vmem>> -> memref<80xi32, #tpu.memory_space<vmem>>
      %dma_wait3A_31 = arith.constant 0 : i32
      %dma_wait3A_32 = arith.constant 0 : i32
      %dma_wait3A_33 = tpu.memref_slice %arg2[%dma_wait3A_31, %dma_wait3A_32] : memref<10000x128xf32, #tpu.memory_space<hbm>> -> memref<10000x128xf32, #tpu.memory_space<hbm>>
      tpu.wait_indirect_dma semaphore(%arg11 : memref<!tpu.dma_semaphore, #tpu.memory_space<semaphore_mem>>) src(%dma_wait3A_33 : memref<10000x128xf32, #tpu.memory_space<hbm>>) dst(%arg9 : memref<80x128xf32, #tpu.memory_space<vmem>>)
      "tpu.region"() ({
        %run_scoped3A = tpu.sem_alloc : memref<!tpu.dma_semaphore, #tpu.memory_space<semaphore_mem>>
        %dma_start3A_34 = arith.constant 0 : i32
        %dma_start3A_35 = tpu.memref_slice %arg8[%scan3A_23, %dma_start3A_34] : memref<125x80xi32, #tpu.memory_space<vmem>> -> memref<1x80xi32, #tpu.memory_space<vmem>>
        %dma_start3A_36 = tpu.memref_squeeze %dma_start3A_35 : memref<1x80xi32, #tpu.memory_space<vmem>> -> memref<80xi32, #tpu.memory_space<vmem>>
        %dma_start3A_37 = arith.constant 0 : i32
        %dma_start3A_38 = arith.constant 0 : i32
        %dma_start3A_39 = tpu.memref_slice %arg10[%dma_start3A_37, %dma_start3A_38] : memref<10000x128xf32, #tpu.memory_space<vmem_shared>> -> memref<10000x128xf32, #tpu.memory_space<vmem_shared>>
        tpu.enqueue_indirect_dma source(%arg9 : memref<80x128xf32, #tpu.memory_space<vmem>>) target(%dma_start3A_39 : memref<10000x128xf32, #tpu.memory_space<vmem_shared>>) offsets(%dma_start3A_36 : memref<80xi32, #tpu.memory_space<vmem>>) semaphore(%run_scoped3A : memref<!tpu.dma_semaphore, #tpu.memory_space<semaphore_mem>>) {add = true}
        %dma_wait3A_40 = arith.constant 0 : i32
        %dma_wait3A_41 = tpu.memref_slice %arg8[%scan3A_23, %dma_wait3A_40] : memref<125x80xi32, #tpu.memory_space<vmem>> -> memref<1x80xi32, #tpu.memory_space<vmem>>
        %dma_wait3A_42 = tpu.memref_squeeze %dma_wait3A_41 : memref<1x80xi32, #tpu.memory_space<vmem>> -> memref<80xi32, #tpu.memory_space<vmem>>
        %dma_wait3A_43 = arith.constant 0 : i32
        %dma_wait3A_44 = arith.constant 0 : i32
        %dma_wait3A_45 = tpu.memref_slice %arg10[%dma_wait3A_43, %dma_wait3A_44] : memref<10000x128xf32, #tpu.memory_space<vmem_shared>> -> memref<10000x128xf32, #tpu.memory_space<vmem_shared>>
        tpu.wait_indirect_dma semaphore(%run_scoped3A : memref<!tpu.dma_semaphore, #tpu.memory_space<semaphore_mem>>) src(%arg9 : memref<80x128xf32, #tpu.memory_space<vmem>>) dst(%dma_wait3A_45 : memref<10000x128xf32, #tpu.memory_space<vmem_shared>>)
        tpu.yield
      }) : () -> ()
    }
    %scan3A_11 = arith.constant 125 : i32
    %barrier3A_12 = arith.constant 0 : index
    tpu.barrier barrier_id(%barrier3A_12)
    %lt3A_13 = arith.constant 15 : i32
    %lt3A_14 = arith.cmpi slt, %arg1, %lt3A_13 : i32
    %convert_element_type3A_15 = arith.extui %lt3A_14 : i1 to i32
    %cond3A_16 = arith.constant 0 : i32
    %cond3A_17 = arith.cmpi ne, %convert_element_type3A_15, %cond3A_16 : i32
    scf.if %cond3A_17 {
      %mul3A_23 = arith.constant 624 : i32
      %mul3A_24 = arith.muli %arg1, %mul3A_23 : i32
      %mul3A_25 = arith.constant 624 : i32
      %mul3A_26 = arith.muli %arg1, %mul3A_25 : i32
      "tpu.region"() ({
        %run_scoped3A = tpu.sem_alloc : memref<!tpu.dma_semaphore, #tpu.memory_space<semaphore_mem>>
        %dma_start3A = arith.constant 0 : i32
        %dma_start3A_27 = tpu.memref_slice %arg6[%arg0, %mul3A_26, %dma_start3A] : memref<2x10000x128xf32, #tpu.memory_space<hbm>> -> memref<1x624x128xf32, #tpu.memory_space<hbm>>
        %dma_start3A_28 = tpu.memref_squeeze %dma_start3A_27 : memref<1x624x128xf32, #tpu.memory_space<hbm>> -> memref<624x128xf32, #tpu.memory_space<hbm>>
        %dma_start3A_29 = arith.constant 0 : i32
        %dma_start3A_30 = tpu.memref_slice %arg10[%mul3A_24, %dma_start3A_29] : memref<10000x128xf32, #tpu.memory_space<vmem_shared>> -> memref<624x128xf32, #tpu.memory_space<vmem_shared>>
        tpu.enqueue_dma source(%dma_start3A_30 : memref<624x128xf32, #tpu.memory_space<vmem_shared>>) target(%dma_start3A_28 : memref<624x128xf32, #tpu.memory_space<hbm>>) target_semaphore(%run_scoped3A : memref<!tpu.dma_semaphore, #tpu.memory_space<semaphore_mem>>)
        %dma_wait3A = arith.constant 0 : i32
        %dma_wait3A_31 = tpu.memref_slice %arg6[%arg0, %mul3A_26, %dma_wait3A] : memref<2x10000x128xf32, #tpu.memory_space<hbm>> -> memref<1x624x128xf32, #tpu.memory_space<hbm>>
        %dma_wait3A_32 = tpu.memref_squeeze %dma_wait3A_31 : memref<1x624x128xf32, #tpu.memory_space<hbm>> -> memref<624x128xf32, #tpu.memory_space<hbm>>
        %dma_wait3A_33 = arith.constant 0 : i32
        %dma_wait3A_34 = tpu.memref_slice %arg10[%mul3A_24, %dma_wait3A_33] : memref<10000x128xf32, #tpu.memory_space<vmem_shared>> -> memref<624x128xf32, #tpu.memory_space<vmem_shared>>
        tpu.wait_dma2 semaphore(%run_scoped3A : memref<!tpu.dma_semaphore, #tpu.memory_space<semaphore_mem>>) src(%dma_wait3A_34 : memref<624x128xf32, #tpu.memory_space<vmem_shared>>) dst(%dma_wait3A_32 : memref<624x128xf32, #tpu.memory_space<hbm>>)
        tpu.yield
      }) : () -> ()
    } else {
    }
    %eq3A_18 = arith.constant 15 : i32
    %eq3A_19 = arith.cmpi eq, %arg1, %eq3A_18 : i32
    %convert_element_type3A_20 = arith.extui %eq3A_19 : i1 to i32
    %cond3A_21 = arith.constant 0 : i32
    %cond3A_22 = arith.cmpi ne, %convert_element_type3A_20, %cond3A_21 : i32
    scf.if %cond3A_22 {
      "tpu.region"() ({
        %run_scoped3A = tpu.sem_alloc : memref<!tpu.dma_semaphore, #tpu.memory_space<semaphore_mem>>
        %dma_start3A = arith.constant 9360 : i32
        %dma_start3A_23 = arith.constant 0 : i32
        %dma_start3A_24 = tpu.memref_slice %arg6[%arg0, %dma_start3A, %dma_start3A_23] : memref<2x10000x128xf32, #tpu.memory_space<hbm>> -> memref<1x640x128xf32, #tpu.memory_space<hbm>>
        %dma_start3A_25 = tpu.memref_squeeze %dma_start3A_24 : memref<1x640x128xf32, #tpu.memory_space<hbm>> -> memref<640x128xf32, #tpu.memory_space<hbm>>
        %dma_start3A_26 = arith.constant 9360 : i32
        %dma_start3A_27 = arith.constant 0 : i32
        %dma_start3A_28 = tpu.memref_slice %arg10[%dma_start3A_26, %dma_start3A_27] : memref<10000x128xf32, #tpu.memory_space<vmem_shared>> -> memref<640x128xf32, #tpu.memory_space<vmem_shared>>
        tpu.enqueue_dma source(%dma_start3A_28 : memref<640x128xf32, #tpu.memory_space<vmem_shared>>) target(%dma_start3A_25 : memref<640x128xf32, #tpu.memory_space<hbm>>) target_semaphore(%run_scoped3A : memref<!tpu.dma_semaphore, #tpu.memory_space<semaphore_mem>>)
        %dma_wait3A = arith.constant 9360 : i32
        %dma_wait3A_29 = arith.constant 0 : i32
        %dma_wait3A_30 = tpu.memref_slice %arg6[%arg0, %dma_wait3A, %dma_wait3A_29] : memref<2x10000x128xf32, #tpu.memory_space<hbm>> -> memref<1x640x128xf32, #tpu.memory_space<hbm>>
        %dma_wait3A_31 = tpu.memref_squeeze %dma_wait3A_30 : memref<1x640x128xf32, #tpu.memory_space<hbm>> -> memref<640x128xf32, #tpu.memory_space<hbm>>
        %dma_wait3A_32 = arith.constant 9360 : i32
        %dma_wait3A_33 = arith.constant 0 : i32
        %dma_wait3A_34 = tpu.memref_slice %arg10[%dma_wait3A_32, %dma_wait3A_33] : memref<10000x128xf32, #tpu.memory_space<vmem_shared>> -> memref<640x128xf32, #tpu.memory_space<vmem_shared>>
        tpu.wait_dma2 semaphore(%run_scoped3A : memref<!tpu.dma_semaphore, #tpu.memory_space<semaphore_mem>>) src(%dma_wait3A_34 : memref<640x128xf32, #tpu.memory_space<vmem_shared>>) dst(%dma_wait3A_31 : memref<640x128xf32, #tpu.memory_space<hbm>>)
        tpu.yield
      }) : () -> ()
    } else {
    }
    return
  }
}

#map = affine_map<(d0, d1) -> (0, 0)>
#map1 = affine_map<(d0, d1) -> (0, 0, 0)>
module attributes {stable_mosaic.version = 14 : i64} {
  func.func @_agg_sc(%arg0: i32, %arg1: i32, %arg2: memref<10000x128xf32, #tpu.memory_space<hbm>>, %arg3: memref<32x125x80xi32, #tpu.memory_space<hbm>>, %arg4: memref<32x125x80xi32, #tpu.memory_space<hbm>>, %arg5: memref<10000x128xf32, #tpu.memory_space<hbm>>, %arg6: memref<2x10000x128xf32, #tpu.memory_space<hbm>>, %arg7: memref<125x80xi32, #tpu.memory_space<vmem>>, %arg8: memref<125x80xi32, #tpu.memory_space<vmem>>, %arg9: memref<80x128xf32, #tpu.memory_space<vmem>>, %arg10: memref<10000x128xf32, #tpu.memory_space<vmem_shared>>, %arg11: memref<!tpu.dma_semaphore, #tpu.memory_space<semaphore_mem>>) attributes {dimension_semantics = [#tpu.dimension_semantics<core_parallel>, #tpu.dimension_semantics<subcore_parallel>], iteration_bounds = array<i64: 2, 16>, scalar_prefetch = 0 : i64, scratch_operands = 5 : i64, tpu.core_type = #tpu.core_type<sc_vector_subcore>, window_params = [{transform_indices = #map}, {transform_indices = #map1}, {transform_indices = #map1}, {transform_indices = #map}, {transform_indices = #map1}]} {
    %mul3A = arith.constant 16 : i32
    %mul3A_0 = arith.muli %arg0, %mul3A : i32
    %add3A = arith.addi %mul3A_0, %arg1 : i32
    "tpu.region"() ({
      %run_scoped3A = tpu.sem_alloc : memref<!tpu.dma_semaphore, #tpu.memory_space<semaphore_mem>>
      %dma_start3A = arith.constant 0 : i32
      %dma_start3A_23 = arith.constant 0 : i32
      %dma_start3A_24 = tpu.memref_slice %arg3[%add3A, %dma_start3A, %dma_start3A_23] : memref<32x125x80xi32, #tpu.memory_space<hbm>> -> memref<1x125x80xi32, #tpu.memory_space<hbm>>
      %dma_start3A_25 = tpu.memref_squeeze %dma_start3A_24 : memref<1x125x80xi32, #tpu.memory_space<hbm>> -> memref<125x80xi32, #tpu.memory_space<hbm>>
      %dma_start3A_26 = arith.constant 0 : i32
      %dma_start3A_27 = arith.constant 0 : i32
      %dma_start3A_28 = tpu.memref_slice %arg3[%add3A, %dma_start3A_26, %dma_start3A_27] : memref<32x125x80xi32, #tpu.memory_space<hbm>> -> memref<1x125x80xi32, #tpu.memory_space<hbm>>
      %dma_start3A_29 = tpu.memref_squeeze %dma_start3A_28 : memref<1x125x80xi32, #tpu.memory_space<hbm>> -> memref<125x80xi32, #tpu.memory_space<hbm>>
      tpu.enqueue_dma source(%dma_start3A_29 : memref<125x80xi32, #tpu.memory_space<hbm>>) target(%arg7 : memref<125x80xi32, #tpu.memory_space<vmem>>) target_semaphore(%run_scoped3A : memref<!tpu.dma_semaphore, #tpu.memory_space<semaphore_mem>>)
      %dma_wait3A = arith.constant 0 : i32
      %dma_wait3A_30 = arith.constant 0 : i32
      %dma_wait3A_31 = tpu.memref_slice %arg3[%add3A, %dma_wait3A, %dma_wait3A_30] : memref<32x125x80xi32, #tpu.memory_space<hbm>> -> memref<1x125x80xi32, #tpu.memory_space<hbm>>
      %dma_wait3A_32 = tpu.memref_squeeze %dma_wait3A_31 : memref<1x125x80xi32, #tpu.memory_space<hbm>> -> memref<125x80xi32, #tpu.memory_space<hbm>>
      %dma_wait3A_33 = arith.constant 0 : i32
      %dma_wait3A_34 = arith.constant 0 : i32
      %dma_wait3A_35 = tpu.memref_slice %arg3[%add3A, %dma_wait3A_33, %dma_wait3A_34] : memref<32x125x80xi32, #tpu.memory_space<hbm>> -> memref<1x125x80xi32, #tpu.memory_space<hbm>>
      %dma_wait3A_36 = tpu.memref_squeeze %dma_wait3A_35 : memref<1x125x80xi32, #tpu.memory_space<hbm>> -> memref<125x80xi32, #tpu.memory_space<hbm>>
      tpu.wait_dma2 semaphore(%run_scoped3A : memref<!tpu.dma_semaphore, #tpu.memory_space<semaphore_mem>>) src(%dma_wait3A_36 : memref<125x80xi32, #tpu.memory_space<hbm>>) dst(%arg7 : memref<125x80xi32, #tpu.memory_space<vmem>>)
      tpu.yield
    }) : () -> ()
    "tpu.region"() ({
      %run_scoped3A = tpu.sem_alloc : memref<!tpu.dma_semaphore, #tpu.memory_space<semaphore_mem>>
      %dma_start3A = arith.constant 0 : i32
      %dma_start3A_23 = arith.constant 0 : i32
      %dma_start3A_24 = tpu.memref_slice %arg4[%add3A, %dma_start3A, %dma_start3A_23] : memref<32x125x80xi32, #tpu.memory_space<hbm>> -> memref<1x125x80xi32, #tpu.memory_space<hbm>>
      %dma_start3A_25 = tpu.memref_squeeze %dma_start3A_24 : memref<1x125x80xi32, #tpu.memory_space<hbm>> -> memref<125x80xi32, #tpu.memory_space<hbm>>
      %dma_start3A_26 = arith.constant 0 : i32
      %dma_start3A_27 = arith.constant 0 : i32
      %dma_start3A_28 = tpu.memref_slice %arg4[%add3A, %dma_start3A_26, %dma_start3A_27] : memref<32x125x80xi32, #tpu.memory_space<hbm>> -> memref<1x125x80xi32, #tpu.memory_space<hbm>>
      %dma_start3A_29 = tpu.memref_squeeze %dma_start3A_28 : memref<1x125x80xi32, #tpu.memory_space<hbm>> -> memref<125x80xi32, #tpu.memory_space<hbm>>
      tpu.enqueue_dma source(%dma_start3A_29 : memref<125x80xi32, #tpu.memory_space<hbm>>) target(%arg8 : memref<125x80xi32, #tpu.memory_space<vmem>>) target_semaphore(%run_scoped3A : memref<!tpu.dma_semaphore, #tpu.memory_space<semaphore_mem>>)
      %dma_wait3A = arith.constant 0 : i32
      %dma_wait3A_30 = arith.constant 0 : i32
      %dma_wait3A_31 = tpu.memref_slice %arg4[%add3A, %dma_wait3A, %dma_wait3A_30] : memref<32x125x80xi32, #tpu.memory_space<hbm>> -> memref<1x125x80xi32, #tpu.memory_space<hbm>>
      %dma_wait3A_32 = tpu.memref_squeeze %dma_wait3A_31 : memref<1x125x80xi32, #tpu.memory_space<hbm>> -> memref<125x80xi32, #tpu.memory_space<hbm>>
      %dma_wait3A_33 = arith.constant 0 : i32
      %dma_wait3A_34 = arith.constant 0 : i32
      %dma_wait3A_35 = tpu.memref_slice %arg4[%add3A, %dma_wait3A_33, %dma_wait3A_34] : memref<32x125x80xi32, #tpu.memory_space<hbm>> -> memref<1x125x80xi32, #tpu.memory_space<hbm>>
      %dma_wait3A_36 = tpu.memref_squeeze %dma_wait3A_35 : memref<1x125x80xi32, #tpu.memory_space<hbm>> -> memref<125x80xi32, #tpu.memory_space<hbm>>
      tpu.wait_dma2 semaphore(%run_scoped3A : memref<!tpu.dma_semaphore, #tpu.memory_space<semaphore_mem>>) src(%dma_wait3A_36 : memref<125x80xi32, #tpu.memory_space<hbm>>) dst(%arg8 : memref<125x80xi32, #tpu.memory_space<vmem>>)
      tpu.yield
    }) : () -> ()
    %lt3A = arith.constant 15 : i32
    %lt3A_1 = arith.cmpi slt, %arg1, %lt3A : i32
    %convert_element_type3A = arith.extui %lt3A_1 : i1 to i32
    %cond3A = arith.constant 0 : i32
    %cond3A_2 = arith.cmpi ne, %convert_element_type3A, %cond3A : i32
    scf.if %cond3A_2 {
      %mul3A_23 = arith.constant 624 : i32
      %mul3A_24 = arith.muli %arg1, %mul3A_23 : i32
      %mul3A_25 = arith.constant 624 : i32
      %mul3A_26 = arith.muli %arg1, %mul3A_25 : i32
      "tpu.region"() ({
        %run_scoped3A = tpu.sem_alloc : memref<!tpu.dma_semaphore, #tpu.memory_space<semaphore_mem>>
        %dma_start3A = arith.constant 0 : i32
        %dma_start3A_27 = tpu.memref_slice %arg10[%mul3A_26, %dma_start3A] : memref<10000x128xf32, #tpu.memory_space<vmem_shared>> -> memref<624x128xf32, #tpu.memory_space<vmem_shared>>
        %dma_start3A_28 = arith.constant 0 : i32
        %dma_start3A_29 = tpu.memref_slice %arg5[%mul3A_24, %dma_start3A_28] : memref<10000x128xf32, #tpu.memory_space<hbm>> -> memref<624x128xf32, #tpu.memory_space<hbm>>
        tpu.enqueue_dma source(%dma_start3A_29 : memref<624x128xf32, #tpu.memory_space<hbm>>) target(%dma_start3A_27 : memref<624x128xf32, #tpu.memory_space<vmem_shared>>) target_semaphore(%run_scoped3A : memref<!tpu.dma_semaphore, #tpu.memory_space<semaphore_mem>>)
        %dma_wait3A = arith.constant 0 : i32
        %dma_wait3A_30 = tpu.memref_slice %arg10[%mul3A_26, %dma_wait3A] : memref<10000x128xf32, #tpu.memory_space<vmem_shared>> -> memref<624x128xf32, #tpu.memory_space<vmem_shared>>
        %dma_wait3A_31 = arith.constant 0 : i32
        %dma_wait3A_32 = tpu.memref_slice %arg5[%mul3A_24, %dma_wait3A_31] : memref<10000x128xf32, #tpu.memory_space<hbm>> -> memref<624x128xf32, #tpu.memory_space<hbm>>
        tpu.wait_dma2 semaphore(%run_scoped3A : memref<!tpu.dma_semaphore, #tpu.memory_space<semaphore_mem>>) src(%dma_wait3A_32 : memref<624x128xf32, #tpu.memory_space<hbm>>) dst(%dma_wait3A_30 : memref<624x128xf32, #tpu.memory_space<vmem_shared>>)
        tpu.yield
      }) : () -> ()
    } else {
    }
    %eq3A = arith.constant 15 : i32
    %eq3A_3 = arith.cmpi eq, %arg1, %eq3A : i32
    %convert_element_type3A_4 = arith.extui %eq3A_3 : i1 to i32
    %cond3A_5 = arith.constant 0 : i32
    %cond3A_6 = arith.cmpi ne, %convert_element_type3A_4, %cond3A_5 : i32
    scf.if %cond3A_6 {
      "tpu.region"() ({
        %run_scoped3A = tpu.sem_alloc : memref<!tpu.dma_semaphore, #tpu.memory_space<semaphore_mem>>
        %dma_start3A = arith.constant 9360 : i32
        %dma_start3A_23 = arith.constant 0 : i32
        %dma_start3A_24 = tpu.memref_slice %arg10[%dma_start3A, %dma_start3A_23] : memref<10000x128xf32, #tpu.memory_space<vmem_shared>> -> memref<640x128xf32, #tpu.memory_space<vmem_shared>>
        %dma_start3A_25 = arith.constant 9360 : i32
        %dma_start3A_26 = arith.constant 0 : i32
        %dma_start3A_27 = tpu.memref_slice %arg5[%dma_start3A_25, %dma_start3A_26] : memref<10000x128xf32, #tpu.memory_space<hbm>> -> memref<640x128xf32, #tpu.memory_space<hbm>>
        tpu.enqueue_dma source(%dma_start3A_27 : memref<640x128xf32, #tpu.memory_space<hbm>>) target(%dma_start3A_24 : memref<640x128xf32, #tpu.memory_space<vmem_shared>>) target_semaphore(%run_scoped3A : memref<!tpu.dma_semaphore, #tpu.memory_space<semaphore_mem>>)
        %dma_wait3A = arith.constant 9360 : i32
        %dma_wait3A_28 = arith.constant 0 : i32
        %dma_wait3A_29 = tpu.memref_slice %arg10[%dma_wait3A, %dma_wait3A_28] : memref<10000x128xf32, #tpu.memory_space<vmem_shared>> -> memref<640x128xf32, #tpu.memory_space<vmem_shared>>
        %dma_wait3A_30 = arith.constant 9360 : i32
        %dma_wait3A_31 = arith.constant 0 : i32
        %dma_wait3A_32 = tpu.memref_slice %arg5[%dma_wait3A_30, %dma_wait3A_31] : memref<10000x128xf32, #tpu.memory_space<hbm>> -> memref<640x128xf32, #tpu.memory_space<hbm>>
        tpu.wait_dma2 semaphore(%run_scoped3A : memref<!tpu.dma_semaphore, #tpu.memory_space<semaphore_mem>>) src(%dma_wait3A_32 : memref<640x128xf32, #tpu.memory_space<hbm>>) dst(%dma_wait3A_29 : memref<640x128xf32, #tpu.memory_space<vmem_shared>>)
        tpu.yield
      }) : () -> ()
    } else {
    }
    %barrier3A = arith.constant 0 : index
    tpu.barrier barrier_id(%barrier3A)
    %scan3A = arith.constant 0 : i32
    %scan3A_7 = arith.constant 0 : i32
    %scan3A_8 = arith.constant 125 : i32
    %scan3A_9 = arith.addi %scan3A_7, %scan3A_8 : i32
    %scan3A_10 = arith.constant 1 : i32
    scf.for %scan3A_23 = %scan3A_7 to %scan3A_9 step %scan3A_10  : i32 {
      %dma_start3A = arith.constant 0 : i32
      %dma_start3A_24 = tpu.memref_slice %arg7[%scan3A_23, %dma_start3A] : memref<125x80xi32, #tpu.memory_space<vmem>> -> memref<1x80xi32, #tpu.memory_space<vmem>>
      %dma_start3A_25 = tpu.memref_squeeze %dma_start3A_24 : memref<1x80xi32, #tpu.memory_space<vmem>> -> memref<80xi32, #tpu.memory_space<vmem>>
      %dma_start3A_26 = arith.constant 0 : i32
      %dma_start3A_27 = arith.constant 0 : i32
      %dma_start3A_28 = tpu.memref_slice %arg2[%dma_start3A_26, %dma_start3A_27] : memref<10000x128xf32, #tpu.memory_space<hbm>> -> memref<10000x128xf32, #tpu.memory_space<hbm>>
      tpu.enqueue_indirect_dma source(%dma_start3A_28 : memref<10000x128xf32, #tpu.memory_space<hbm>>) target(%arg9 : memref<80x128xf32, #tpu.memory_space<vmem>>) offsets(%dma_start3A_25 : memref<80xi32, #tpu.memory_space<vmem>>) semaphore(%arg11 : memref<!tpu.dma_semaphore, #tpu.memory_space<semaphore_mem>>)
      %dma_wait3A = arith.constant 0 : i32
      %dma_wait3A_29 = tpu.memref_slice %arg7[%scan3A_23, %dma_wait3A] : memref<125x80xi32, #tpu.memory_space<vmem>> -> memref<1x80xi32, #tpu.memory_space<vmem>>
      %dma_wait3A_30 = tpu.memref_squeeze %dma_wait3A_29 : memref<1x80xi32, #tpu.memory_space<vmem>> -> memref<80xi32, #tpu.memory_space<vmem>>
      %dma_wait3A_31 = arith.constant 0 : i32
      %dma_wait3A_32 = arith.constant 0 : i32
      %dma_wait3A_33 = tpu.memref_slice %arg2[%dma_wait3A_31, %dma_wait3A_32] : memref<10000x128xf32, #tpu.memory_space<hbm>> -> memref<10000x128xf32, #tpu.memory_space<hbm>>
      tpu.wait_indirect_dma semaphore(%arg11 : memref<!tpu.dma_semaphore, #tpu.memory_space<semaphore_mem>>) src(%dma_wait3A_33 : memref<10000x128xf32, #tpu.memory_space<hbm>>) dst(%arg9 : memref<80x128xf32, #tpu.memory_space<vmem>>)
      "tpu.region"() ({
        %run_scoped3A = tpu.sem_alloc : memref<!tpu.dma_semaphore, #tpu.memory_space<semaphore_mem>>
        %dma_start3A_34 = arith.constant 0 : i32
        %dma_start3A_35 = tpu.memref_slice %arg8[%scan3A_23, %dma_start3A_34] : memref<125x80xi32, #tpu.memory_space<vmem>> -> memref<1x80xi32, #tpu.memory_space<vmem>>
        %dma_start3A_36 = tpu.memref_squeeze %dma_start3A_35 : memref<1x80xi32, #tpu.memory_space<vmem>> -> memref<80xi32, #tpu.memory_space<vmem>>
        %dma_start3A_37 = arith.constant 0 : i32
        %dma_start3A_38 = arith.constant 0 : i32
        %dma_start3A_39 = tpu.memref_slice %arg10[%dma_start3A_37, %dma_start3A_38] : memref<10000x128xf32, #tpu.memory_space<vmem_shared>> -> memref<10000x128xf32, #tpu.memory_space<vmem_shared>>
        tpu.enqueue_indirect_dma source(%arg9 : memref<80x128xf32, #tpu.memory_space<vmem>>) target(%dma_start3A_39 : memref<10000x128xf32, #tpu.memory_space<vmem_shared>>) offsets(%dma_start3A_36 : memref<80xi32, #tpu.memory_space<vmem>>) semaphore(%run_scoped3A : memref<!tpu.dma_semaphore, #tpu.memory_space<semaphore_mem>>) {add = true}
        %dma_wait3A_40 = arith.constant 0 : i32
        %dma_wait3A_41 = tpu.memref_slice %arg8[%scan3A_23, %dma_wait3A_40] : memref<125x80xi32, #tpu.memory_space<vmem>> -> memref<1x80xi32, #tpu.memory_space<vmem>>
        %dma_wait3A_42 = tpu.memref_squeeze %dma_wait3A_41 : memref<1x80xi32, #tpu.memory_space<vmem>> -> memref<80xi32, #tpu.memory_space<vmem>>
        %dma_wait3A_43 = arith.constant 0 : i32
        %dma_wait3A_44 = arith.constant 0 : i32
        %dma_wait3A_45 = tpu.memref_slice %arg10[%dma_wait3A_43, %dma_wait3A_44] : memref<10000x128xf32, #tpu.memory_space<vmem_shared>> -> memref<10000x128xf32, #tpu.memory_space<vmem_shared>>
        tpu.wait_indirect_dma semaphore(%run_scoped3A : memref<!tpu.dma_semaphore, #tpu.memory_space<semaphore_mem>>) src(%arg9 : memref<80x128xf32, #tpu.memory_space<vmem>>) dst(%dma_wait3A_45 : memref<10000x128xf32, #tpu.memory_space<vmem_shared>>)
        tpu.yield
      }) : () -> ()
    }
    %scan3A_11 = arith.constant 125 : i32
    %barrier3A_12 = arith.constant 0 : index
    tpu.barrier barrier_id(%barrier3A_12)
    %lt3A_13 = arith.constant 15 : i32
    %lt3A_14 = arith.cmpi slt, %arg1, %lt3A_13 : i32
    %convert_element_type3A_15 = arith.extui %lt3A_14 : i1 to i32
    %cond3A_16 = arith.constant 0 : i32
    %cond3A_17 = arith.cmpi ne, %convert_element_type3A_15, %cond3A_16 : i32
    scf.if %cond3A_17 {
      %mul3A_23 = arith.constant 624 : i32
      %mul3A_24 = arith.muli %arg1, %mul3A_23 : i32
      %mul3A_25 = arith.constant 624 : i32
      %mul3A_26 = arith.muli %arg1, %mul3A_25 : i32
      "tpu.region"() ({
        %run_scoped3A = tpu.sem_alloc : memref<!tpu.dma_semaphore, #tpu.memory_space<semaphore_mem>>
        %dma_start3A = arith.constant 0 : i32
        %dma_start3A_27 = tpu.memref_slice %arg6[%arg0, %mul3A_26, %dma_start3A] : memref<2x10000x128xf32, #tpu.memory_space<hbm>> -> memref<1x624x128xf32, #tpu.memory_space<hbm>>
        %dma_start3A_28 = tpu.memref_squeeze %dma_start3A_27 : memref<1x624x128xf32, #tpu.memory_space<hbm>> -> memref<624x128xf32, #tpu.memory_space<hbm>>
        %dma_start3A_29 = arith.constant 0 : i32
        %dma_start3A_30 = tpu.memref_slice %arg10[%mul3A_24, %dma_start3A_29] : memref<10000x128xf32, #tpu.memory_space<vmem_shared>> -> memref<624x128xf32, #tpu.memory_space<vmem_shared>>
        tpu.enqueue_dma source(%dma_start3A_30 : memref<624x128xf32, #tpu.memory_space<vmem_shared>>) target(%dma_start3A_28 : memref<624x128xf32, #tpu.memory_space<hbm>>) target_semaphore(%run_scoped3A : memref<!tpu.dma_semaphore, #tpu.memory_space<semaphore_mem>>)
        %dma_wait3A = arith.constant 0 : i32
        %dma_wait3A_31 = tpu.memref_slice %arg6[%arg0, %mul3A_26, %dma_wait3A] : memref<2x10000x128xf32, #tpu.memory_space<hbm>> -> memref<1x624x128xf32, #tpu.memory_space<hbm>>
        %dma_wait3A_32 = tpu.memref_squeeze %dma_wait3A_31 : memref<1x624x128xf32, #tpu.memory_space<hbm>> -> memref<624x128xf32, #tpu.memory_space<hbm>>
        %dma_wait3A_33 = arith.constant 0 : i32
        %dma_wait3A_34 = tpu.memref_slice %arg10[%mul3A_24, %dma_wait3A_33] : memref<10000x128xf32, #tpu.memory_space<vmem_shared>> -> memref<624x128xf32, #tpu.memory_space<vmem_shared>>
        tpu.wait_dma2 semaphore(%run_scoped3A : memref<!tpu.dma_semaphore, #tpu.memory_space<semaphore_mem>>) src(%dma_wait3A_34 : memref<624x128xf32, #tpu.memory_space<vmem_shared>>) dst(%dma_wait3A_32 : memref<624x128xf32, #tpu.memory_space<hbm>>)
        tpu.yield
      }) : () -> ()
    } else {
    }
    %eq3A_18 = arith.constant 15 : i32
    %eq3A_19 = arith.cmpi eq, %arg1, %eq3A_18 : i32
    %convert_element_type3A_20 = arith.extui %eq3A_19 : i1 to i32
    %cond3A_21 = arith.constant 0 : i32
    %cond3A_22 = arith.cmpi ne, %convert_element_type3A_20, %cond3A_21 : i32
    scf.if %cond3A_22 {
      "tpu.region"() ({
        %run_scoped3A = tpu.sem_alloc : memref<!tpu.dma_semaphore, #tpu.memory_space<semaphore_mem>>
        %dma_start3A = arith.constant 9360 : i32
        %dma_start3A_23 = arith.constant 0 : i32
        %dma_start3A_24 = tpu.memref_slice %arg6[%arg0, %dma_start3A, %dma_start3A_23] : memref<2x10000x128xf32, #tpu.memory_space<hbm>> -> memref<1x640x128xf32, #tpu.memory_space<hbm>>
        %dma_start3A_25 = tpu.memref_squeeze %dma_start3A_24 : memref<1x640x128xf32, #tpu.memory_space<hbm>> -> memref<640x128xf32, #tpu.memory_space<hbm>>
        %dma_start3A_26 = arith.constant 9360 : i32
        %dma_start3A_27 = arith.constant 0 : i32
        %dma_start3A_28 = tpu.memref_slice %arg10[%dma_start3A_26, %dma_start3A_27] : memref<10000x128xf32, #tpu.memory_space<vmem_shared>> -> memref<640x128xf32, #tpu.memory_space<vmem_shared>>
        tpu.enqueue_dma source(%dma_start3A_28 : memref<640x128xf32, #tpu.memory_space<vmem_shared>>) target(%dma_start3A_25 : memref<640x128xf32, #tpu.memory_space<hbm>>) target_semaphore(%run_scoped3A : memref<!tpu.dma_semaphore, #tpu.memory_space<semaphore_mem>>)
        %dma_wait3A = arith.constant 9360 : i32
        %dma_wait3A_29 = arith.constant 0 : i32
        %dma_wait3A_30 = tpu.memref_slice %arg6[%arg0, %dma_wait3A, %dma_wait3A_29] : memref<2x10000x128xf32, #tpu.memory_space<hbm>> -> memref<1x640x128xf32, #tpu.memory_space<hbm>>
        %dma_wait3A_31 = tpu.memref_squeeze %dma_wait3A_30 : memref<1x640x128xf32, #tpu.memory_space<hbm>> -> memref<640x128xf32, #tpu.memory_space<hbm>>
        %dma_wait3A_32 = arith.constant 9360 : i32
        %dma_wait3A_33 = arith.constant 0 : i32
        %dma_wait3A_34 = tpu.memref_slice %arg10[%dma_wait3A_32, %dma_wait3A_33] : memref<10000x128xf32, #tpu.memory_space<vmem_shared>> -> memref<640x128xf32, #tpu.memory_space<vmem_shared>>
        tpu.wait_dma2 semaphore(%run_scoped3A : memref<!tpu.dma_semaphore, #tpu.memory_space<semaphore_mem>>) src(%dma_wait3A_34 : memref<640x128xf32, #tpu.memory_space<vmem_shared>>) dst(%dma_wait3A_31 : memref<640x128xf32, #tpu.memory_space<hbm>>)
        tpu.yield
      }) : () -> ()
    } else {
    }
    return
  }
}

module attributes {stable_mosaic.version = 14 : i64} {
  func.func @_mm1_body(%arg0: i32, %arg1: memref<2000x128xf32, #tpu.memory_space<vmem>>, %arg2: memref<128x128xf32, #tpu.memory_space<vmem>>, %arg3: memref<2x2000x8xf32, #tpu.memory_space<vmem>>, %arg4: memref<2000x128xf32, #tpu.memory_space<vmem>>, %arg5: memref<2000x1xf32, #tpu.memory_space<vmem>>) attributes {dimension_semantics = [#tpu.dimension_semantics<arbitrary>], iteration_bounds = array<i64: 5>, scalar_prefetch = 0 : i64, scratch_operands = 0 : i64, tpu.core_type = #tpu.core_type<tc>, window_params = [{transform_indices = @transform_0, window_bounds = array<i64: 2000, 128>}, {pipeline_mode = #tpu.pipeline_mode<synchronous>, transform_indices = @transform_1, window_bounds = array<i64: 128, 128>}, {transform_indices = @transform_2, window_bounds = array<i64: 2, 2000, 8>}, {transform_indices = @transform_3, window_bounds = array<i64: 2000, 128>}, {transform_indices = @transform_4, window_bounds = array<i64: 2000, 1>}]} {
    %get3A = arith.constant 0 : index
    %get3A_0 = arith.constant 0 : index
    %get3A_1 = arith.constant 0 : index
    %get3A_2 = vector.load %arg3[%get3A, %get3A_0, %get3A_1] : memref<2x2000x8xf32, #tpu.memory_space<vmem>>, vector<2x2000x8xf32>
    %slice3A = vector.extract_strided_slice %get3A_2 {offsets = [0, 0, 0], sizes = [1, 2000, 1], strides = [1, 1, 1]} : vector<2x2000x8xf32> to vector<1x2000x1xf32>
    %squeeze3A = vector.shape_cast %slice3A : vector<1x2000x1xf32> to vector<2000x1xf32>
    %add3A = arith.constant 1.000000e+00 : f32
    %add3A_3 = vector.broadcast %add3A : f32 to vector<2000x1xf32>
    %add3A_4 = arith.addf %add3A_3, %squeeze3A : vector<2000x1xf32>
    %slice3A_5 = vector.extract_strided_slice %get3A_2 {offsets = [1, 0, 0], sizes = [1, 2000, 1], strides = [1, 1, 1]} : vector<2x2000x8xf32> to vector<1x2000x1xf32>
    %squeeze3A_6 = vector.shape_cast %slice3A_5 : vector<1x2000x1xf32> to vector<2000x1xf32>
    %add3A_7 = arith.addf %add3A_4, %squeeze3A_6 : vector<2000x1xf32>
    %rsqrt3A = math.rsqrt %add3A_7 : vector<2000x1xf32>
    %get3A_8 = arith.constant 0 : index
    %get3A_9 = arith.constant 0 : index
    %get3A_10 = vector.load %arg1[%get3A_8, %get3A_9] : memref<2000x128xf32, #tpu.memory_space<vmem>>, vector<2000x128xf32>
    %get3A_11 = arith.constant 0 : index
    %get3A_12 = arith.constant 0 : index
    %get3A_13 = vector.load %arg2[%get3A_11, %get3A_12] : memref<128x128xf32, #tpu.memory_space<vmem>>, vector<128x128xf32>
    %dot_general3A = arith.constant dense<0.000000e+00> : vector<2000x128xf32>
    %dot_general3A_14 = tpu.matmul %get3A_10, %get3A_13, %dot_general3A {dimension_numbers = #tpu.dot_dimension_numbers<[1], [0], [0], [1], [0, 0, 1, 1], [], []>, transpose_lhs_hint = false} : vector<2000x128xf32>, vector<128x128xf32>, vector<2000x128xf32> -> vector<2000x128xf32>
    %mul3A = vector.broadcast %rsqrt3A : vector<2000x1xf32> to vector<2000x128xf32>
    %mul3A_15 = arith.mulf %dot_general3A_14, %mul3A : vector<2000x128xf32>
    %swap3A = arith.constant 0 : index
    %swap3A_16 = arith.constant 0 : index
    %swap3A_17 = vector.load %arg4[%swap3A, %swap3A_16] : memref<2000x128xf32, #tpu.memory_space<vmem>>, vector<2000x128xf32>
    tpu.vector_store %arg4[%swap3A, %swap3A_16], %mul3A_15 {strides = array<i32>} : memref<2000x128xf32, #tpu.memory_space<vmem>>, vector<2000x128xf32>,
    %swap3A_18 = arith.constant 0 : index
    %swap3A_19 = arith.constant 0 : index
    %swap3A_20 = vector.load %arg5[%swap3A_18, %swap3A_19] : memref<2000x1xf32, #tpu.memory_space<vmem>>, vector<2000x1xf32>
    tpu.vector_store %arg5[%swap3A_18, %swap3A_19], %rsqrt3A {strides = array<i32>} : memref<2000x1xf32, #tpu.memory_space<vmem>>, vector<2000x1xf32>,
    return
  }
  func.func @transform_0(%arg0: i32) -> (i32, i32) {
    %c0_i32 = arith.constant 0 : i32
    %c0_i32_0 = arith.constant 0 : i32
    return %arg0, %c0_i32 : i32, i32
  }
  func.func @transform_1(%arg0: i32) -> (i32, i32) {
    %c0_i32 = arith.constant 0 : i32
    %c0_i32_0 = arith.constant 0 : i32
    %c0_i32_1 = arith.constant 0 : i32
    return %c0_i32, %c0_i32_0 : i32, i32
  }
  func.func @transform_2(%arg0: i32) -> (i32, i32, i32) {
    %c0_i32 = arith.constant 0 : i32
    %c0_i32_0 = arith.constant 0 : i32
    %c0_i32_1 = arith.constant 0 : i32
    return %c0_i32, %arg0, %c0_i32_0 : i32, i32, i32
  }
  func.func @transform_3(%arg0: i32) -> (i32, i32) {
    %c0_i32 = arith.constant 0 : i32
    %c0_i32_0 = arith.constant 0 : i32
    return %arg0, %c0_i32 : i32, i32
  }
  func.func @transform_4(%arg0: i32) -> (i32, i32) {
    %c0_i32 = arith.constant 0 : i32
    %c0_i32_0 = arith.constant 0 : i32
    return %arg0, %c0_i32 : i32, i32
  }
}

module attributes {stable_mosaic.version = 14 : i64} {
  func.func @_fuse_body(%arg0: i32, %arg1: memref<2x2000x128xf32, #tpu.memory_space<vmem>>, %arg2: memref<2000x128xf32, #tpu.memory_space<vmem>>, %arg3: memref<2000x1xf32, #tpu.memory_space<vmem>>, %arg4: memref<1x128xf32, #tpu.memory_space<vmem>>, %arg5: memref<128x128xf32, #tpu.memory_space<vmem>>, %arg6: memref<2000x128xf32, #tpu.memory_space<vmem>>) attributes {dimension_semantics = [#tpu.dimension_semantics<arbitrary>], iteration_bounds = array<i64: 5>, scalar_prefetch = 0 : i64, scratch_operands = 0 : i64, tpu.core_type = #tpu.core_type<tc>, window_params = [{transform_indices = @transform_0, window_bounds = array<i64: 2, 2000, 128>}, {transform_indices = @transform_1, window_bounds = array<i64: 2000, 128>}, {transform_indices = @transform_2, window_bounds = array<i64: 2000, 1>}, {pipeline_mode = #tpu.pipeline_mode<synchronous>, transform_indices = @transform_3, window_bounds = array<i64: 1, 128>}, {pipeline_mode = #tpu.pipeline_mode<synchronous>, transform_indices = @transform_4, window_bounds = array<i64: 128, 128>}, {transform_indices = @transform_5, window_bounds = array<i64: 2000, 128>}]} {
    %get3A = arith.constant 0 : index
    %get3A_0 = arith.constant 0 : index
    %get3A_1 = arith.constant 0 : index
    %get3A_2 = vector.load %arg1[%get3A, %get3A_0, %get3A_1] : memref<2x2000x128xf32, #tpu.memory_space<vmem>>, vector<2x2000x128xf32>
    %get3A_3 = arith.constant 0 : index
    %get3A_4 = arith.constant 0 : index
    %get3A_5 = vector.load %arg3[%get3A_3, %get3A_4] : memref<2000x1xf32, #tpu.memory_space<vmem>>, vector<2000x1xf32>
    %slice3A = vector.extract_strided_slice %get3A_2 {offsets = [0, 0, 0], sizes = [1, 2000, 128], strides = [1, 1, 1]} : vector<2x2000x128xf32> to vector<1x2000x128xf32>
    %squeeze3A = vector.shape_cast %slice3A : vector<1x2000x128xf32> to vector<2000x128xf32>
    %slice3A_6 = vector.extract_strided_slice %get3A_2 {offsets = [1, 0, 0], sizes = [1, 2000, 128], strides = [1, 1, 1]} : vector<2x2000x128xf32> to vector<1x2000x128xf32>
    %squeeze3A_7 = vector.shape_cast %slice3A_6 : vector<1x2000x128xf32> to vector<2000x128xf32>
    %add3A = arith.addf %squeeze3A, %squeeze3A_7 : vector<2000x128xf32>
    %get3A_8 = arith.constant 0 : index
    %get3A_9 = arith.constant 0 : index
    %get3A_10 = vector.load %arg2[%get3A_8, %get3A_9] : memref<2000x128xf32, #tpu.memory_space<vmem>>, vector<2000x128xf32>
    %add3A_11 = arith.addf %add3A, %get3A_10 : vector<2000x128xf32>
    %mul3A = vector.broadcast %get3A_5 : vector<2000x1xf32> to vector<2000x128xf32>
    %mul3A_12 = arith.mulf %add3A_11, %mul3A : vector<2000x128xf32>
    %get3A_13 = arith.constant 0 : index
    %get3A_14 = arith.constant 0 : index
    %get3A_15 = vector.load %arg4[%get3A_13, %get3A_14] : memref<1x128xf32, #tpu.memory_space<vmem>>, vector<1x128xf32>
    %add3A_16 = vector.broadcast %get3A_15 : vector<1x128xf32> to vector<2000x128xf32>
    %add3A_17 = arith.addf %mul3A_12, %add3A_16 : vector<2000x128xf32>
    %max3A = arith.constant 0.000000e+00 : f32
    %max3A_18 = vector.broadcast %max3A : f32 to vector<2000x128xf32>
    %max3A_19 = arith.maximumf %add3A_17, %max3A_18 : vector<2000x128xf32>
    %get3A_20 = arith.constant 0 : index
    %get3A_21 = arith.constant 0 : index
    %get3A_22 = vector.load %arg5[%get3A_20, %get3A_21] : memref<128x128xf32, #tpu.memory_space<vmem>>, vector<128x128xf32>
    %dot_general3A = arith.constant dense<0.000000e+00> : vector<2000x128xf32>
    %dot_general3A_23 = tpu.matmul %max3A_19, %get3A_22, %dot_general3A {dimension_numbers = #tpu.dot_dimension_numbers<[1], [0], [0], [1], [0, 0, 1, 1], [], []>, transpose_lhs_hint = false} : vector<2000x128xf32>, vector<128x128xf32>, vector<2000x128xf32> -> vector<2000x128xf32>
    %mul3A_24 = vector.broadcast %get3A_5 : vector<2000x1xf32> to vector<2000x128xf32>
    %mul3A_25 = arith.mulf %dot_general3A_23, %mul3A_24 : vector<2000x128xf32>
    %swap3A = arith.constant 0 : index
    %swap3A_26 = arith.constant 0 : index
    %swap3A_27 = vector.load %arg6[%swap3A, %swap3A_26] : memref<2000x128xf32, #tpu.memory_space<vmem>>, vector<2000x128xf32>
    tpu.vector_store %arg6[%swap3A, %swap3A_26], %mul3A_25 {strides = array<i32>} : memref<2000x128xf32, #tpu.memory_space<vmem>>, vector<2000x128xf32>,
    return
  }
  func.func @transform_0(%arg0: i32) -> (i32, i32, i32) {
    %c0_i32 = arith.constant 0 : i32
    %c0_i32_0 = arith.constant 0 : i32
    %c0_i32_1 = arith.constant 0 : i32
    return %c0_i32, %arg0, %c0_i32_0 : i32, i32, i32
  }
  func.func @transform_1(%arg0: i32) -> (i32, i32) {
    %c0_i32 = arith.constant 0 : i32
    %c0_i32_0 = arith.constant 0 : i32
    return %arg0, %c0_i32 : i32, i32
  }
  func.func @transform_2(%arg0: i32) -> (i32, i32) {
    %c0_i32 = arith.constant 0 : i32
    %c0_i32_0 = arith.constant 0 : i32
    return %arg0, %c0_i32 : i32, i32
  }
  func.func @transform_3(%arg0: i32) -> (i32, i32) {
    %c0_i32 = arith.constant 0 : i32
    %c0_i32_0 = arith.constant 0 : i32
    %c0_i32_1 = arith.constant 0 : i32
    return %c0_i32, %c0_i32_0 : i32, i32
  }
  func.func @transform_4(%arg0: i32) -> (i32, i32) {
    %c0_i32 = arith.constant 0 : i32
    %c0_i32_0 = arith.constant 0 : i32
    %c0_i32_1 = arith.constant 0 : i32
    return %c0_i32, %c0_i32_0 : i32, i32
  }
  func.func @transform_5(%arg0: i32) -> (i32, i32) {
    %c0_i32 = arith.constant 0 : i32
    %c0_i32_0 = arith.constant 0 : i32
    return %arg0, %c0_i32 : i32, i32
  }
}

module attributes {stable_mosaic.version = 14 : i64} {
  func.func @_head_body(%arg0: i32, %arg1: memref<2x2000x128xf32, #tpu.memory_space<vmem>>, %arg2: memref<2000x128xf32, #tpu.memory_space<vmem>>, %arg3: memref<2000x1xf32, #tpu.memory_space<vmem>>, %arg4: memref<1x128xf32, #tpu.memory_space<vmem>>, %arg5: memref<2000x1xi32, #tpu.memory_space<vmem>>, %arg6: memref<128x128xf32, #tpu.memory_space<vmem>>, %arg7: memref<1x128xf32, #tpu.memory_space<vmem>>, %arg8: memref<128x10xf32, #tpu.memory_space<vmem>>, %arg9: memref<1x10xf32, #tpu.memory_space<vmem>>, %arg10: memref<64x10xf32, #tpu.memory_space<vmem>>, %arg11: memref<64x128xf32, #tpu.memory_space<vmem>>, %arg12: memref<64x128xf32, #tpu.memory_space<vmem>>) attributes {dimension_semantics = [#tpu.dimension_semantics<arbitrary>], iteration_bounds = array<i64: 5>, scalar_prefetch = 0 : i64, scratch_operands = 2 : i64, tpu.core_type = #tpu.core_type<tc>, window_params = [{transform_indices = @transform_0, window_bounds = array<i64: 2, 2000, 128>}, {transform_indices = @transform_1, window_bounds = array<i64: 2000, 128>}, {transform_indices = @transform_2, window_bounds = array<i64: 2000, 1>}, {pipeline_mode = #tpu.pipeline_mode<synchronous>, transform_indices = @transform_3, window_bounds = array<i64: 1, 128>}, {transform_indices = @transform_4, window_bounds = array<i64: 2000, 1>}, {pipeline_mode = #tpu.pipeline_mode<synchronous>, transform_indices = @transform_5, window_bounds = array<i64: 128, 128>}, {pipeline_mode = #tpu.pipeline_mode<synchronous>, transform_indices = @transform_6, window_bounds = array<i64: 1, 128>}, {pipeline_mode = #tpu.pipeline_mode<synchronous>, transform_indices = @transform_7, window_bounds = array<i64: 128, 10>}, {pipeline_mode = #tpu.pipeline_mode<synchronous>, transform_indices = @transform_8, window_bounds = array<i64: 1, 10>}, {pipeline_mode = #tpu.pipeline_mode<synchronous>, transform_indices = @transform_9, window_bounds = array<i64: 64, 10>}]} {
    %eq3A = arith.constant 0 : i32
    %eq3A_0 = arith.cmpi eq, %arg0, %eq3A : i32
    %convert_element_type3A = arith.extui %eq3A_0 : i1 to i32
    %cond3A = arith.constant 0 : i32
    %cond3A_1 = arith.cmpi ne, %convert_element_type3A, %cond3A : i32
    scf.if %cond3A_1 {
      %broadcast_in_dim3A_52 = arith.constant 0.000000e+00 : f32
      %broadcast_in_dim3A_53 = vector.broadcast %broadcast_in_dim3A_52 : f32 to vector<64x128xf32>
      %swap3A_54 = arith.constant 0 : index
      %swap3A_55 = arith.constant 0 : index
      %swap3A_56 = vector.load %arg11[%swap3A_54, %swap3A_55] : memref<64x128xf32, #tpu.memory_space<vmem>>, vector<64x128xf32>
      tpu.vector_store %arg11[%swap3A_54, %swap3A_55], %broadcast_in_dim3A_53 {strides = array<i32>} : memref<64x128xf32, #tpu.memory_space<vmem>>, vector<64x128xf32>,
      %broadcast_in_dim3A_57 = arith.constant 0.000000e+00 : f32
      %broadcast_in_dim3A_58 = vector.broadcast %broadcast_in_dim3A_57 : f32 to vector<64x128xf32>
      %swap3A_59 = arith.constant 0 : index
      %swap3A_60 = arith.constant 0 : index
      %swap3A_61 = vector.load %arg12[%swap3A_59, %swap3A_60] : memref<64x128xf32, #tpu.memory_space<vmem>>, vector<64x128xf32>
      tpu.vector_store %arg12[%swap3A_59, %swap3A_60], %broadcast_in_dim3A_58 {strides = array<i32>} : memref<64x128xf32, #tpu.memory_space<vmem>>, vector<64x128xf32>,
    } else {
    }
    %get3A = arith.constant 0 : index
    %get3A_2 = arith.constant 0 : index
    %get3A_3 = arith.constant 0 : index
    %get3A_4 = vector.load %arg1[%get3A, %get3A_2, %get3A_3] : memref<2x2000x128xf32, #tpu.memory_space<vmem>>, vector<2x2000x128xf32>
    %get3A_5 = arith.constant 0 : index
    %get3A_6 = arith.constant 0 : index
    %get3A_7 = vector.load %arg3[%get3A_5, %get3A_6] : memref<2000x1xf32, #tpu.memory_space<vmem>>, vector<2000x1xf32>
    %slice3A = vector.extract_strided_slice %get3A_4 {offsets = [0, 0, 0], sizes = [1, 2000, 128], strides = [1, 1, 1]} : vector<2x2000x128xf32> to vector<1x2000x128xf32>
    %squeeze3A = vector.shape_cast %slice3A : vector<1x2000x128xf32> to vector<2000x128xf32>
    %slice3A_8 = vector.extract_strided_slice %get3A_4 {offsets = [1, 0, 0], sizes = [1, 2000, 128], strides = [1, 1, 1]} : vector<2x2000x128xf32> to vector<1x2000x128xf32>
    %squeeze3A_9 = vector.shape_cast %slice3A_8 : vector<1x2000x128xf32> to vector<2000x128xf32>
    %add3A = arith.addf %squeeze3A, %squeeze3A_9 : vector<2000x128xf32>
    %get3A_10 = arith.constant 0 : index
    %get3A_11 = arith.constant 0 : index
    %get3A_12 = vector.load %arg2[%get3A_10, %get3A_11] : memref<2000x128xf32, #tpu.memory_space<vmem>>, vector<2000x128xf32>
    %add3A_13 = arith.addf %add3A, %get3A_12 : vector<2000x128xf32>
    %mul3A = vector.broadcast %get3A_7 : vector<2000x1xf32> to vector<2000x128xf32>
    %mul3A_14 = arith.mulf %add3A_13, %mul3A : vector<2000x128xf32>
    %get3A_15 = arith.constant 0 : index
    %get3A_16 = arith.constant 0 : index
    %get3A_17 = vector.load %arg4[%get3A_15, %get3A_16] : memref<1x128xf32, #tpu.memory_space<vmem>>, vector<1x128xf32>
    %add3A_18 = vector.broadcast %get3A_17 : vector<1x128xf32> to vector<2000x128xf32>
    %add3A_19 = arith.addf %mul3A_14, %add3A_18 : vector<2000x128xf32>
    %max3A = arith.constant 0.000000e+00 : f32
    %max3A_20 = vector.broadcast %max3A : f32 to vector<2000x128xf32>
    %max3A_21 = arith.maximumf %add3A_19, %max3A_20 : vector<2000x128xf32>
    %iota3A = tpu.iota {dimensions = array<i32: 1>} : vector<1x64xi32>
    %get3A_22 = arith.constant 0 : index
    %get3A_23 = arith.constant 0 : index
    %get3A_24 = vector.load %arg5[%get3A_22, %get3A_23] : memref<2000x1xi32, #tpu.memory_space<vmem>>, vector<2000x1xi32>
    %eq3A_25 = vector.broadcast %get3A_24 : vector<2000x1xi32> to vector<2000x64xi32>
    %eq3A_26 = vector.broadcast %iota3A : vector<1x64xi32> to vector<2000x64xi32>
    %eq3A_27 = arith.cmpi eq, %eq3A_25, %eq3A_26 : vector<2000x64xi32>
    %convert_element_type3A_28 = arith.extui %eq3A_27 : vector<2000x64xi1> to vector<2000x64xi32>
    %convert_element_type3A_29 = arith.sitofp %convert_element_type3A_28 : vector<2000x64xi32> to vector<2000x64xf32>
    %get3A_30 = arith.constant 0 : index
    %get3A_31 = arith.constant 0 : index
    %get3A_32 = vector.load %arg11[%get3A_30, %get3A_31] : memref<64x128xf32, #tpu.memory_space<vmem>>, vector<64x128xf32>
    %dot_general3A = arith.constant dense<0.000000e+00> : vector<64x128xf32>
    %dot_general3A_33 = tpu.matmul %convert_element_type3A_29, %max3A_21, %dot_general3A {dimension_numbers = #tpu.dot_dimension_numbers<[0], [0], [1], [1], [0, 1, 1, 1], [], []>, transpose_lhs_hint = false} : vector<2000x64xf32>, vector<2000x128xf32>, vector<64x128xf32> -> vector<64x128xf32>
    %add3A_34 = arith.addf %get3A_32, %dot_general3A_33 : vector<64x128xf32>
    %swap3A = arith.constant 0 : index
    %swap3A_35 = arith.constant 0 : index
    %swap3A_36 = vector.load %arg11[%swap3A, %swap3A_35] : memref<64x128xf32, #tpu.memory_space<vmem>>, vector<64x128xf32>
    tpu.vector_store %arg11[%swap3A, %swap3A_35], %add3A_34 {strides = array<i32>} : memref<64x128xf32, #tpu.memory_space<vmem>>, vector<64x128xf32>,
    %get3A_37 = arith.constant 0 : index
    %get3A_38 = arith.constant 0 : index
    %get3A_39 = vector.load %arg12[%get3A_37, %get3A_38] : memref<64x128xf32, #tpu.memory_space<vmem>>, vector<64x128xf32>
    %broadcast_in_dim3A = arith.constant 1.000000e+00 : f32
    %broadcast_in_dim3A_40 = vector.broadcast %broadcast_in_dim3A : f32 to vector<2000x128xf32>
    %dot_general3A_41 = arith.constant dense<0.000000e+00> : vector<64x128xf32>
    %dot_general3A_42 = tpu.matmul %convert_element_type3A_29, %broadcast_in_dim3A_40, %dot_general3A_41 {dimension_numbers = #tpu.dot_dimension_numbers<[0], [0], [1], [1], [0, 1, 1, 1], [], []>, transpose_lhs_hint = false} : vector<2000x64xf32>, vector<2000x128xf32>, vector<64x128xf32> -> vector<64x128xf32>
    %add3A_43 = arith.addf %get3A_39, %dot_general3A_42 : vector<64x128xf32>
    %swap3A_44 = arith.constant 0 : index
    %swap3A_45 = arith.constant 0 : index
    %swap3A_46 = vector.load %arg12[%swap3A_44, %swap3A_45] : memref<64x128xf32, #tpu.memory_space<vmem>>, vector<64x128xf32>
    tpu.vector_store %arg12[%swap3A_44, %swap3A_45], %add3A_43 {strides = array<i32>} : memref<64x128xf32, #tpu.memory_space<vmem>>, vector<64x128xf32>,
    %eq3A_47 = arith.constant 4 : i32
    %eq3A_48 = arith.cmpi eq, %arg0, %eq3A_47 : i32
    %convert_element_type3A_49 = arith.extui %eq3A_48 : i1 to i32
    %cond3A_50 = arith.constant 0 : i32
    %cond3A_51 = arith.cmpi ne, %convert_element_type3A_49, %cond3A_50 : i32
    scf.if %cond3A_51 {
      %get3A_52 = arith.constant 0 : index
      %get3A_53 = arith.constant 0 : index
      %get3A_54 = vector.load %arg11[%get3A_52, %get3A_53] : memref<64x128xf32, #tpu.memory_space<vmem>>, vector<64x128xf32>
      %get3A_55 = arith.constant 0 : index
      %get3A_56 = arith.constant 0 : index
      %get3A_57 = vector.load %arg12[%get3A_55, %get3A_56] : memref<64x128xf32, #tpu.memory_space<vmem>>, vector<64x128xf32>
      %max3A_58 = arith.constant 1.000000e+00 : f32
      %max3A_59 = vector.broadcast %max3A_58 : f32 to vector<64x128xf32>
      %max3A_60 = arith.maximumf %get3A_57, %max3A_59 : vector<64x128xf32>
      %div3A = arith.divf %get3A_54, %max3A_60 : vector<64x128xf32>
      %get3A_61 = arith.constant 0 : index
      %get3A_62 = arith.constant 0 : index
      %get3A_63 = vector.load %arg6[%get3A_61, %get3A_62] : memref<128x128xf32, #tpu.memory_space<vmem>>, vector<128x128xf32>
      %dot_general3A_64 = arith.constant dense<0.000000e+00> : vector<64x128xf32>
      %dot_general3A_65 = tpu.matmul %div3A, %get3A_63, %dot_general3A_64 {dimension_numbers = #tpu.dot_dimension_numbers<[1], [0], [0], [1], [0, 0, 1, 1], [], []>, transpose_lhs_hint = false} : vector<64x128xf32>, vector<128x128xf32>, vector<64x128xf32> -> vector<64x128xf32>
      %get3A_66 = arith.constant 0 : index
      %get3A_67 = arith.constant 0 : index
      %get3A_68 = vector.load %arg7[%get3A_66, %get3A_67] : memref<1x128xf32, #tpu.memory_space<vmem>>, vector<1x128xf32>
      %add3A_69 = vector.broadcast %get3A_68 : vector<1x128xf32> to vector<64x128xf32>
      %add3A_70 = arith.addf %dot_general3A_65, %add3A_69 : vector<64x128xf32>
      %max3A_71 = arith.constant 0.000000e+00 : f32
      %max3A_72 = vector.broadcast %max3A_71 : f32 to vector<64x128xf32>
      %max3A_73 = arith.maximumf %add3A_70, %max3A_72 : vector<64x128xf32>
      %get3A_74 = arith.constant 0 : index
      %get3A_75 = arith.constant 0 : index
      %get3A_76 = vector.load %arg8[%get3A_74, %get3A_75] : memref<128x10xf32, #tpu.memory_space<vmem>>, vector<128x10xf32>
      %dot_general3A_77 = arith.constant dense<0.000000e+00> : vector<64x10xf32>
      %dot_general3A_78 = tpu.matmul %max3A_73, %get3A_76, %dot_general3A_77 {dimension_numbers = #tpu.dot_dimension_numbers<[1], [0], [0], [1], [0, 0, 1, 1], [], []>, transpose_lhs_hint = false} : vector<64x128xf32>, vector<128x10xf32>, vector<64x10xf32> -> vector<64x10xf32>
      %get3A_79 = arith.constant 0 : index
      %get3A_80 = arith.constant 0 : index
      %get3A_81 = vector.load %arg9[%get3A_79, %get3A_80] : memref<1x10xf32, #tpu.memory_space<vmem>>, vector<1x10xf32>
      %add3A_82 = vector.broadcast %get3A_81 : vector<1x10xf32> to vector<64x10xf32>
      %add3A_83 = arith.addf %dot_general3A_78, %add3A_82 : vector<64x10xf32>
      %swap3A_84 = arith.constant 0 : index
      %swap3A_85 = arith.constant 0 : index
      %swap3A_86 = vector.load %arg10[%swap3A_84, %swap3A_85] : memref<64x10xf32, #tpu.memory_space<vmem>>, vector<64x10xf32>
      tpu.vector_store %arg10[%swap3A_84, %swap3A_85], %add3A_83 {strides = array<i32>} : memref<64x10xf32, #tpu.memory_space<vmem>>, vector<64x10xf32>,
    } else {
    }
    return
  }
  func.func @transform_0(%arg0: i32) -> (i32, i32, i32) {
    %c0_i32 = arith.constant 0 : i32
    %c0_i32_0 = arith.constant 0 : i32
    %c0_i32_1 = arith.constant 0 : i32
    return %c0_i32, %arg0, %c0_i32_0 : i32, i32, i32
  }
  func.func @transform_1(%arg0: i32) -> (i32, i32) {
    %c0_i32 = arith.constant 0 : i32
    %c0_i32_0 = arith.constant 0 : i32
    return %arg0, %c0_i32 : i32, i32
  }
  func.func @transform_2(%arg0: i32) -> (i32, i32) {
    %c0_i32 = arith.constant 0 : i32
    %c0_i32_0 = arith.constant 0 : i32
    return %arg0, %c0_i32 : i32, i32
  }
  func.func @transform_3(%arg0: i32) -> (i32, i32) {
    %c0_i32 = arith.constant 0 : i32
    %c0_i32_0 = arith.constant 0 : i32
    %c0_i32_1 = arith.constant 0 : i32
    return %c0_i32, %c0_i32_0 : i32, i32
  }
  func.func @transform_4(%arg0: i32) -> (i32, i32) {
    %c0_i32 = arith.constant 0 : i32
    %c0_i32_0 = arith.constant 0 : i32
    return %arg0, %c0_i32 : i32, i32
  }
  func.func @transform_5(%arg0: i32) -> (i32, i32) {
    %c0_i32 = arith.constant 0 : i32
    %c0_i32_0 = arith.constant 0 : i32
    %c0_i32_1 = arith.constant 0 : i32
    return %c0_i32, %c0_i32_0 : i32, i32
  }
  func.func @transform_6(%arg0: i32) -> (i32, i32) {
    %c0_i32 = arith.constant 0 : i32
    %c0_i32_0 = arith.constant 0 : i32
    %c0_i32_1 = arith.constant 0 : i32
    return %c0_i32, %c0_i32_0 : i32, i32
  }
  func.func @transform_7(%arg0: i32) -> (i32, i32) {
    %c0_i32 = arith.constant 0 : i32
    %c0_i32_0 = arith.constant 0 : i32
    %c0_i32_1 = arith.constant 0 : i32
    return %c0_i32, %c0_i32_0 : i32, i32
  }
  func.func @transform_8(%arg0: i32) -> (i32, i32) {
    %c0_i32 = arith.constant 0 : i32
    %c0_i32_0 = arith.constant 0 : i32
    %c0_i32_1 = arith.constant 0 : i32
    return %c0_i32, %c0_i32_0 : i32, i32
  }
  func.func @transform_9(%arg0: i32) -> (i32, i32) {
    %c0_i32 = arith.constant 0 : i32
    %c0_i32_0 = arith.constant 0 : i32
    %c0_i32_1 = arith.constant 0 : i32
    return %c0_i32, %c0_i32_0 : i32, i32
  }
}

</mosaic_0001>

<sc_bundles>
// kernel: kernel.10.cloned.1.call-start
scs
__scs_entry_jumppad:
0x0: {  	(pc) =	sbr.rel $0x88, $3  }
0x1: {  	(tag) =	ssettag $0x0;
	lr =	simm.s32 $0x1  }
0x2: {  	[smem:$0x3F94] =	sst lr;
	_ =	strace $0xD0000000  }
0x3: {  	_ = 	snop  }
0x4: {  	_ = 	snop  }
0x5: {  	_ = 	snop  }
0x6: {  	_ = 	snop  }
0x7: {  	_ = 	snop  }
__scs_overlays_trampoline_lowered:
0x8: {  	[smem:$0x3FA3] =	sst s0  }
0x9: {  	[smem:$0x3FA4] =	sst s1  }
0xa: {  	[smem:$0x3FA5] =	sst s2  }
0xb: {  	[smem:$0x3FA6] =	sst s3  }
0xc: {  	[smem:$0x3FA7] =	sst s4  }
0xd: {  	[smem:$0x3FA8] =	sst s5  }
0xe: {  	[smem:$0x3FA9] =	sst s6  }
0xf: {  	[smem:$0x3FAA] =	sst s7  }
0x10: {  	[smem:$0x3FAB] =	sst s8  }
0x11: {  	[smem:$0x3FAC] =	sst s9;
	s0 =	simm.s32 @!p0 $0x0  }
0x12: {  	s1 =	sld [smem:$0x3F92];
	s0 =	simm.s32 @p0 $0x1  }
0x13: {  	[smem:$0x3FAD] =	sst s0;
	s0 =	simm.s32 @!p1 $0x0  }
0x14: {  	s2 =	sld [smem:$0x3F91];
	s0 =	simm.s32 @p1 $0x1  }
0x15: {  	[smem:$0x3FAE] =	sst s0;
	s0 =	simm.s32 @!p2 $0x0  }
0x16: {  	s3 =	sld [smem:$0x3FDB];
	s0 =	simm.s32 @p2 $0x1  }
0x17: {  	s4 =	simm.s32 $0x1BF5;
	[smem:$0x3FB0] =	sst s0  }
0x18: {  	s0 =	sld [smem:$0x3F93];
	_ =	swait.ge [sflag:s4], $0x0  }
0x19: {  	s7 =	sld [smem:$0x3F94]  }
0x1a: {  	s8 =	sadd.s32 $0xFFFFE003, lr  }
0x1b: {  	s9 =	sadd.s32 $0xFFFFFEF7, lr;
	s5 =	simm.s32 $0xFFFFFFFF;
	p2 =	slt.u32 s8, $0xFFFFF086  }
0x1c: {  	p1 =	slt.u32 s9, $0xF7A;
	s5 =	simm.s32 @!p2 $0x0  }
0x1d: {  	s5 =	simm.s32 @p1 $0x1;
	p0 =	seq.s32 s7, s2  }
0x1e: {  	s7 =	smul.u32 @!p0 $0xF7A, s2;
	p2 =	seq.s32 @!p0 s5, $0x0  }
0x1f: {  	s9 =	smul.u32 $0xF7A, s1;
	s8 =	simm.s32 @!p0 $0x1BF5;
	p2 =	por !p2, p0  }
0x20: {  	[sflag:s8] =	ssyncset.s32 @!p0 $0xFFFFF086;
	s6 =	sadd.s32 @!p0 s3, s7;
	s7 =	simm.s32 @!p0 $0x108  }
0x21: {  	s3 =	sadd.s32 s3, s9;
	s6 =	sadd.s32 @!p0 $0x88, s6;
	s7 =	simm.s32 @p2 $0x1082  }
0x22: {  	[simem:s7], [sflag:s8] =	dma.local @!p0 [hbm:s6], $0xF7A  }
0x23: {  	s9 =	sor.u32 $0xD0000000, s2;
	s6 =	simm.s32 $0x108;
	_ =	swait.ge @!p0 [sflag:s8], $0x0  }
0x24: {  	s3 =	sadd.s32 $0x88, s3;
	s6 =	simm.s32 @!p1 $0x1082;
	[sflag:s4] =	ssyncset.s32 $0xFFFFF086  }
0x25: {  	[simem:s6], [sflag:s4] =	dma.local [hbm:s3], $0xF7A  }
0x26: {  	[smem:$0x3F94] =	sst s1;
	(tag) =	ssettag s2;
	_ =	strace s9  }
0x27: {  	s1 =	sld [smem:$0x3FA4]  }
0x28: {  	s2 =	sld [smem:$0x3FA5]  }
0x29: {  	s4 =	sld [smem:$0x3FA7]  }
0x2a: {  	p0 =	seq.s32 s5, $0x0;
	s5 =	sld [smem:$0x3FA8]  }
0x2b: {  	s6 =	sld [smem:$0x3FA9]  }
0x2c: {  	s7 =	sld [smem:$0x3FAA]  }
0x2d: {  	s3 =	simm.s32 $0x108;
	s8 =	sld [smem:$0x3FAB]  }
0x2e: {  	s3 =	simm.s32 @!p0 $0x1082;
	s9 =	sld [smem:$0x3FAC]  }
0x2f: {  	lr =	sadd.s32 s0, s3;
	s0 =	sld [smem:$0x3FA3]  }
0x30: {  	s3 =	sld [smem:$0x3FA6]  }
0x31: {  	[smem:$0x3FAF] =	sst s10  }
0x32: {  	s10 =	sld [smem:$0x3FAD];
	_ =	sdelay $0x3  }
0x33: {  	p0 =	seq.s32 s10, $0x1;
	s10 =	sld [smem:$0x3FAF];
	_ =	sdelay $0x3  }
0x34: {  	[smem:$0x3FAF] =	sst s10  }
0x35: {  	s10 =	sld [smem:$0x3FAE];
	_ =	sdelay $0x3  }
0x36: {  	p1 =	seq.s32 s10, $0x1;
	s10 =	sld [smem:$0x3FAF];
	_ =	sdelay $0x3  }
0x37: {  	[smem:$0x3FAF] =	sst s10  }
0x38: {  	s10 =	sld [smem:$0x3FB0]  }
0x39: {  	_ = 	snop;
	(pc) =	sbr.ind lr, $3  }
0x3a: {  	_ = 	snop  }
0x3b: {  	_ = 	snop  }
0x3c: {  	p2 =	seq.s32 s10, $0x1;
	s10 =	sld [smem:$0x3FAF]  }
0x3d: {  	_ =	shalt  }
0x3e: {  	_ =	shalt  }
0x3f: {  	_ =	shalt  }
0x40: {  	_ =	shalt  }
0x41: {  	_ =	shalt  }
0x42: {  	_ =	shalt  }
0x43: {  	_ =	shalt  }
0x44: {  	_ =	shalt  }
0x45: {  	_ =	shalt  }
0x46: {  	_ =	shalt  }
0x47: {  	_ =	shalt  }
0x48: {  	_ =	shalt  }
0x49: {  	_ =	shalt  }
0x4a: {  	_ =	shalt  }
0x4b: {  	_ =	shalt  }
0x4c: {  	_ =	shalt  }
0x4d: {  	_ =	shalt  }
0x4e: {  	_ =	shalt  }
0x4f: {  	_ =	shalt  }
0x50: {  	_ =	shalt  }
0x51: {  	_ =	shalt  }
0x52: {  	_ =	shalt  }
0x53: {  	_ =	shalt  }
0x54: {  	_ =	shalt  }
0x55: {  	_ =	shalt  }
0x56: {  	_ =	shalt  }
0x57: {  	_ =	shalt  }
0x58: {  	_ =	shalt  }
0x59: {  	_ =	shalt  }
0x5a: {  	_ =	shalt  }
0x5b: {  	_ =	shalt  }
0x5c: {  	_ =	shalt  }
0x5d: {  	_ =	shalt  }
0x5e: {  	_ =	shalt  }
0x5f: {  	_ =	shalt  }
0x60: {  	_ =	shalt  }
0x61: {  	_ =	shalt  }
0x62: {  	_ =	shalt  }
0x63: {  	_ =	shalt  }
0x64: {  	_ =	shalt  }
0x65: {  	_ =	shalt  }
0x66: {  	_ =	shalt  }
0x67: {  	_ =	shalt  }
0x68: {  	_ =	shalt  }
0x69: {  	_ =	shalt  }
0x6a: {  	_ =	shalt  }
0x6b: {  	_ =	shalt  }
0x6c: {  	_ =	shalt  }
0x6d: {  	_ =	shalt  }
0x6e: {  	_ =	shalt  }
0x6f: {  	_ =	shalt  }
0x70: {  	_ =	shalt  }
0x71: {  	_ =	shalt  }
0x72: {  	_ =	shalt  }
0x73: {  	_ =	shalt  }
0x74: {  	_ =	shalt  }
0x75: {  	_ =	shalt  }
0x76: {  	_ =	shalt  }
0x77: {  	_ =	shalt  }
0x78: {  	_ =	shalt  }
0x79: {  	_ =	shalt  }
0x7a: {  	_ =	shalt  }
0x7b: {  	_ =	shalt  }
0x7c: {  	_ =	shalt  }
0x7d: {  	_ =	shalt  }
0x7e: {  	_ =	shalt  }
0x7f: {  	_ =	shalt  }
0x80: {  	_ =	shalt  }
0x81: {  	_ =	shalt  }
0x82: {  	_ =	shalt  }
0x83: {  	_ =	shalt  }
0x84: {  	_ =	shalt  }
0x85: {  	_ =	shalt  }
0x86: {  	_ =	shalt  }
0x87: {  	_ =	shalt  }
.Lfunc_end0:
.L_simem_size_0:
called_computation_lowered:
.L_overlay_start_0:
0x88: {  	s2 =	sld [smem:$0x3FD9]  }
0x89: {  	s3 =	sld [smem:$0x3FFE];
	_ =	sdelay $0x1  }
0x8a: {  	s1 =	srdreg.scid  }
0x8b: {  	s0 =	sand.u32 $0x1, s1  }
0x8c: {  	s16 =	sshll.u32 s0, $0xA;
	s2 =	sadd.s32 s3, s2  }
0x8d: {  	s2 =	sadd.s32 s2, s16  }
0x8e: {  	[smem:$0x3FBB] =	sst s2  }
0x8f: {  	_ = 	snop  }
0x90: {  	(tm) =	ssettm $0x1  }
0x91: {  	s17 =	sld [smem:$0x3FFB];
	_ =	sdelay $0x3  }
0x92: {  	_ =	strace s17  }
0x93: {  	s2 =	sld [smem:$0x3FFC];
	_ =	sdelay $0x3  }
0x94: {  	_ =	strace s2  }
0x95: {  	s2 =	sld [smem:$0x3FFD];
	_ =	sdelay $0x3  }
0x96: {  	_ =	strace s2  }
0x97: {  	_ =	strace $0x8FFFFFFF  }
0x98: {  	s18 =	sld [smem:$0x3FDB];
	_ =	sdelay $0x1  }
0x99: {  	s19 =	simm.s32 $_scs_section_size  }
0x9a: {  	s4 =	simm.s32 $_size__tile_overlayer_lowered;
	s5 =	simm.s32 $_tile_overlayer_lowered  }
0x9b: {  	s22 =	simm.s32 $0x1BFF;
	s21 =	sshll.u32 s5, $0x1;
	s2 =	sadd.s32 s19, s18  }
0x9c: {  	s6 =	simm.s32 $0x0;
	s20 =	sshll.u32 s4, $0x1;
	s4 =	sadd.s32 s21, s2  }
0x9d: {  	[timem:s6], [sflag:s22] =	dma.local [hbm:s4], s20  }
0x9e: {  	_ =	swait.ge [sflag:s22], s20  }
0x9f: {  	s3 =	ssub.s32 $0x0, s20;
	[sflag:s22] =	ssyncset.done $0x0  }
0xa0: {  	[sflag:s22] =	ssyncadd.s32 s3;
	_ =	sdelay $0x1  }
0xa1: {  	s23 =	simm.s32 $0x1B8B  }
0xa2: {  	_ =	swait.ge [sflag:s23], $0x1  }
0xa3: {  	[sflag:s23] =	ssyncset.done $0x0  }
0xa4: {  	s25 =	simm.s32 $0x1B8E;
	s24 =	sld [smem:$0x3FFE];
	[sflag:s23] =	ssyncadd.s32 $0xFFFFFFFF  }
0xa5: {  	s26 =	simm.s32 $execute0_lowered;
	[smem:$0x3FD2] =	sst s25  }
0xa6: {  	s4 =	sshll.u32 s26, $0x1;
	_ =	strace $0x80000046;
	[dreg:$0x1] =	wrdreg $0xFFFFFFFF  }
0xa7: {  	s28 =	simm.s32 $_size_execute0_lowered;
	s2 =	sadd.s32 s2, s4;
	[dreg:$0x0] =	wrdreg $0x0  }
0xa8: {  	s4 =	sshll.u32 s28, $0x1;
	[dreg:$0x2] =	wrdreg s2  }
0xa9: {  	[dreg:$0x3] =	wrdreg s4  }
0xaa: {  	[dreg:$0x4] =	wrdreg $0xC0  }
0xab: {  	_ =	task [dreg:s6], $0x5FFFF  }
0xac: {  	[dreg:$0x1] =	wrdreg $0xFFFFFFFF  }
0xad: {  	[dreg:$0x0] =	wrdreg $0x60  }
0xae: {  	[dreg:$0x2] =	wrdreg s24  }
0xaf: {  	[dreg:$0x3] =	wrdreg $0x68000  }
0xb0: {  	[dreg:$0x4] =	wrdreg $0x9  }
0xb1: {  	_ =	task.clear_ibuf [dreg:s6], $0x5FFFF;
	_ =	strace $0x90000046  }
0xb2: {  	s29 =	simm.s32 $0x9;
	_ =	strace $0x80000048  }
0xb3: {  	_ =	swait.ge [sflag:s29], $0x1  }
0xb4: {  	[sflag:s29] =	ssyncadd.s32 $0xFFFFFFFF  }
0xb5: {  	_ =	strace $0x90000048  }
0xb6: {  	_ =	sfence  }
0xb7: {  	s30 =	sld [smem:$0x0];
	_ =	sdelay $0x2  }
0xb8: {  	s31 =	sshll.u32 s1, $0xD;
	s1 =	sshrl.u32 s1, $0x2  }
0xb9: {  	s3 =	sand.u32 $0x4000, s31;
	s1 =	sadd.s32 s1, s30  }
0xba: {  	s0 =	sor.u32 s3, s0;
	s1 =	sshll.u32 s1, $0x11  }
0xbb: {  	s0 =	sor.u32 s1, s0  }
0xbc: {  	s0 =	sadd.s32 $0x8F2B, s0  }
0xbd: {  	[sflag:s0] =	ssyncadd.remote.s32 $0x1  }
0xbe: {  	_ =	sfence.sel $0xFFFF  }
0xbf: {  	[dreg:$0x0] =	wrdreg $0xFFFFFFFF;
	(pc) =	sbr.abs _section_cstart, $3  }
0xc0: {  	[dreg:$0x1] =	wrdreg $0xFFFFFFFF  }
0xc1: {  	_ =	task.clear_ibuf [dreg:s6], $0x2FFFF;
	_ =	strace $0x9FFFFFFF  }
0xc2: {  	(tm) =	ssettm $0x7FFFFFFF  }
0xc3: {  	_ =	shalt  }
tec
execute0_lowered:
.L_overlay_start_1:
0x0: {  	(tag) =	ssettag $0x1  }
0x1: {  	s5 =	rddreg [dreg:$0x0]  }
0x2: {  	s1 =	rddreg [dreg:$0x1]  }
0x3: {  	s0 =	rddreg [dreg:$0x2];
	s2 =	simm.s32 $0x0;
	s8 =	stileid.u32  }
0x4: {  	s4 =	srdreg.scid;
	s12 =	simm.s32 $0x0;
	[smem:$0x7FF] =	sst s2  }
0x5: {  	s3 =	sshll.u32 s8, $0xB;
	s7 =	sand.u32 $0x1, s4;
	s4 =	sadd.s32 $0x3A600, s5  }
0x6: {  	p0 =	sne.s32 s8, $0x0;
	s8 =	simm.s32 $0x1;
	_ =	strace $0x80000047  }
0x7: {  	s6 =	sadd.s32 s3, s5;
	s9 =	smul.u32 $0x27100, s7;
	s10 =	ssub.s32 $0x2, s7  }
0x8: {  	s3 =	sadd.s32 $0x13400, s5;
	s7 =	sshll.u32 s7, $0xF;
	s11 =	sshrl.u32 s10, $0x1  }
0x9: {  	s31 =	sadd.s32 s7, s6;
	s9 =	sadd.s32 s9, s5;
	s10 =	ssub.s32 s10, s11  }
0xa: {  	s5 =	sadd.s32 $0x3400, s31;
	s11 =	simm.s32 $0x50;
	s6 =	sadd.s32 $0x3AC00, s9  }
0xb: {  	s7 =	smax.u32 s10, $0x1;
	s9 =	simm.s32 $0x4000;
	s10 =	sshrl.u32 @!p0 s1, $0x3  }
.LBB2_1:
0xc: {  	[tilespmem:s2], [sflag:$0x1] =	stream.linear.gather [hbm4b:s5+s2], $0x3E80, $0x38;
	[tilespmem:$0x7B88] =	vst v63  }
0xd: {  	_ =	swait.ge [sflag:s8], $0x3E80  }
0xe: {  	[sflag:s8] =	ssyncset.done $0x0  }
0xf: {  	[sflag:s8] =	ssyncadd.s32 $0xFFFFC180  }
0x10: {  	[tilespmem:s9], [sflag:$0x1] =	stream.linear.gather [hbm4b:s4+s2], $0x2800, $0x38;
	[tilespmem:$0x7B88] =	vst v63  }
0x11: {  	_ =	swait.ge [sflag:s8], $0x2800  }
0x12: {  	[sflag:s8] =	ssyncset.done $0x0  }
0x13: {  	s13 =	simm.s32 @!p0 $0x1C01;
	[sflag:s8] =	ssyncadd.s32 $0xFFFFD800  }
0x14: {  	[spmem:s10], [sflag:s13] =	dma.local @!p0 [hbm:s3], $0x27100  }
0x15: {  	s13 =	simm.s32 @!p0 $0x1  }
0x16: {  	_ =	swait.ge @!p0 [sflag:s13], $0x27100  }
0x17: {  	[sflag:s13] =	ssyncset.done @!p0 $0x0  }
0x18: {  	[sflag:s13] =	ssyncadd.s32 @!p0 $0xFFFD8F00  }
0x19: {  	s31 =	simm.s32 $0x0;
	[bflag:$0x0] =	sbarrier.arrive $0xFFFF  }
0x1a: {  	[spmem:s1] =	stream.indirect.scatter.add.f32 [tilespmem:s9], [sflag:$0x1], $0x8, s31, s11, $0xb8;
	[tilespmem:$0x7B88] =	vst v63  }
0x1b: {  	_ =	swait.ge [sflag:s8], $0x280  }
0x1c: {  	s13 =	simm.s32 $0x200;
	[sflag:s8] =	ssyncset.done $0x0  }
.LBB2_2:
0x1d: {  	s14 =	sshra.s32 s13, $0x2;
	[sflag:s8] =	ssyncadd.s32 $0xFFFFFD80;
	p1 =	sne.s32 s13, $0xF800  }
0x1e: {  	[spmem:s1] =	stream.indirect.scatter.add.f32 [tilespmem:s9], [sflag:$0x1], $0x8, s14, s11, $0xb8;
	[tilespmem:$0x7B88] =	vst v63  }
.Ltmp0:
0x1f: {  	_ = 	snop;
	(pc) =	sbr.rel @p1 .LBB2_2-.Ltmp0, $4  }
0x20: {  	_ = 	snop  }
0x21: {  	s13 =	sadd.s32 $0x200, s13  }
0x22: {  	_ =	swait.ge [sflag:s8], $0x280  }
0x23: {  	[sflag:s8] =	ssyncset.done $0x0  }
0x24: {  	[sflag:s8] =	ssyncadd.s32 $0xFFFFFD80;
	s12 =	sadd.s32 $0x1, s12  }
0x25: {  	s13 =	simm.s32 @!p0 $0x1C01;
	[bflag:$0x0] =	sbarrier.arrive $0xFFFF;
	p1 =	sne.s32 s12, s7  }
0x26: {  	[hbm:s6], [sflag:s13] =	dma.local @!p0 [spmem:s10], $0x27100  }
.Ltmp1:
0x27: {  	_ = 	snop;
	(pc) =	sbr.rel @p1 .LBB2_1-.Ltmp1, $4  }
0x28: {  	s13 =	simm.s32 @!p0 $0x1  }
0x29: {  	_ =	swait.ge @!p0 [sflag:s13], $0x27100  }
0x2a: {  	[sflag:s13] =	ssyncset.done @!p0 $0x0  }
0x2b: {  	[sflag:s13] =	ssyncadd.s32 @!p0 $0xFFFD8F00  }
0x2c: {  	_ =	sfence.sel $0x180000  }
0x2d: {  	[bflag:$0x0] =	sbarrier.arrive $0xFFFF  }
0x2e: {  	_ =	strace $0x90000047  }
0x2f: {  	s0 =	sadd.s32 @!p0 $0x100000, s0;
	[bflag:$0x2] =	sbarrier.arrive $0xFFFF  }
0x30: {  	[sflag:s0] =	ssyncadd.tile.s32 @!p0 $0x1;
	_ =	shalt  }
.Lfunc_end2:
_tile_overlayer_lowered:
.L_overlay_start_2:
0x31: {  	(tag) =	ssettag $0x2  }
0x32: {  	s0 =	rddreg [dreg:$0x0];
	s2 =	stileid.u32  }
0x33: {  	s1 =	rddreg [dreg:$0x1];
	p0 =	sne.s32 s2, $0x0  }
0x34: {  	s3 =	rddreg [dreg:$0x2];
	[bflag:$0x3] =	sbarrier.arrive $0xFFFF;
	s2 =	simm.s32 @!p0 $0x1C01  }
0x35: {  	[timem:s3], [sflag:s2] =	dma.local @!p0 [hbm:s0], s1  }
0x36: {  	s0 =	simm.s32 @!p0 $0x1  }
0x37: {  	_ =	swait.ge @!p0 [sflag:s0], s1  }
0x38: {  	s1 =	ssub.s32 @!p0 $0x0, s1;
	[sflag:s0] =	ssyncset.done @!p0 $0x0  }
0x39: {  	[sflag:s0] =	ssyncadd.s32 @!p0 s1  }
0x3a: {  	[bflag:$0x3] =	sbarrier.arrive $0xFFFF  }
0x3b: {  	_ =	shalt  }

// kernel: kernel.13.cloned.1.call-start
scs
__scs_entry_jumppad:
0x0: {  	(pc) =	sbr.rel $0x88, $3  }
0x1: {  	(tag) =	ssettag $0x0;
	lr =	simm.s32 $0x1  }
0x2: {  	[smem:$0x3F94] =	sst lr;
	_ =	strace $0xD0000000  }
0x3: {  	_ = 	snop  }
0x4: {  	_ = 	snop  }
0x5: {  	_ = 	snop  }
0x6: {  	_ = 	snop  }
0x7: {  	_ = 	snop  }
__scs_overlays_trampoline_lowered:
0x8: {  	[smem:$0x3FA3] =	sst s0  }
0x9: {  	[smem:$0x3FA4] =	sst s1  }
0xa: {  	[smem:$0x3FA5] =	sst s2  }
0xb: {  	[smem:$0x3FA6] =	sst s3  }
0xc: {  	[smem:$0x3FA7] =	sst s4  }
0xd: {  	[smem:$0x3FA8] =	sst s5  }
0xe: {  	[smem:$0x3FA9] =	sst s6  }
0xf: {  	[smem:$0x3FAA] =	sst s7  }
0x10: {  	[smem:$0x3FAB] =	sst s8  }
0x11: {  	[smem:$0x3FAC] =	sst s9;
	s0 =	simm.s32 @!p0 $0x0  }
0x12: {  	s1 =	sld [smem:$0x3F92];
	s0 =	simm.s32 @p0 $0x1  }
0x13: {  	[smem:$0x3FAD] =	sst s0;
	s0 =	simm.s32 @!p1 $0x0  }
0x14: {  	s2 =	sld [smem:$0x3F91];
	s0 =	simm.s32 @p1 $0x1  }
0x15: {  	[smem:$0x3FAE] =	sst s0;
	s0 =	simm.s32 @!p2 $0x0  }
0x16: {  	s3 =	sld [smem:$0x3FDB];
	s0 =	simm.s32 @p2 $0x1  }
0x17: {  	s4 =	simm.s32 $0x1BF5;
	[smem:$0x3FB0] =	sst s0  }
0x18: {  	s0 =	sld [smem:$0x3F93];
	_ =	swait.ge [sflag:s4], $0x0  }
0x19: {  	s7 =	sld [smem:$0x3F94]  }
0x1a: {  	s8 =	sadd.s32 $0xFFFFE003, lr  }
0x1b: {  	s9 =	sadd.s32 $0xFFFFFEF7, lr;
	s5 =	simm.s32 $0xFFFFFFFF;
	p2 =	slt.u32 s8, $0xFFFFF086  }
0x1c: {  	p1 =	slt.u32 s9, $0xF7A;
	s5 =	simm.s32 @!p2 $0x0  }
0x1d: {  	s5 =	simm.s32 @p1 $0x1;
	p0 =	seq.s32 s7, s2  }
0x1e: {  	s7 =	smul.u32 @!p0 $0xF7A, s2;
	p2 =	seq.s32 @!p0 s5, $0x0  }
0x1f: {  	s9 =	smul.u32 $0xF7A, s1;
	s8 =	simm.s32 @!p0 $0x1BF5;
	p2 =	por !p2, p0  }
0x20: {  	[sflag:s8] =	ssyncset.s32 @!p0 $0xFFFFF086;
	s6 =	sadd.s32 @!p0 s3, s7;
	s7 =	simm.s32 @!p0 $0x108  }
0x21: {  	s3 =	sadd.s32 s3, s9;
	s6 =	sadd.s32 @!p0 $0x88, s6;
	s7 =	simm.s32 @p2 $0x1082  }
0x22: {  	[simem:s7], [sflag:s8] =	dma.local @!p0 [hbm:s6], $0xF7A  }
0x23: {  	s9 =	sor.u32 $0xD0000000, s2;
	s6 =	simm.s32 $0x108;
	_ =	swait.ge @!p0 [sflag:s8], $0x0  }
0x24: {  	s3 =	sadd.s32 $0x88, s3;
	s6 =	simm.s32 @!p1 $0x1082;
	[sflag:s4] =	ssyncset.s32 $0xFFFFF086  }
0x25: {  	[simem:s6], [sflag:s4] =	dma.local [hbm:s3], $0xF7A  }
0x26: {  	[smem:$0x3F94] =	sst s1;
	(tag) =	ssettag s2;
	_ =	strace s9  }
0x27: {  	s1 =	sld [smem:$0x3FA4]  }
0x28: {  	s2 =	sld [smem:$0x3FA5]  }
0x29: {  	s4 =	sld [smem:$0x3FA7]  }
0x2a: {  	p0 =	seq.s32 s5, $0x0;
	s5 =	sld [smem:$0x3FA8]  }
0x2b: {  	s6 =	sld [smem:$0x3FA9]  }
0x2c: {  	s7 =	sld [smem:$0x3FAA]  }
0x2d: {  	s3 =	simm.s32 $0x108;
	s8 =	sld [smem:$0x3FAB]  }
0x2e: {  	s3 =	simm.s32 @!p0 $0x1082;
	s9 =	sld [smem:$0x3FAC]  }
0x2f: {  	lr =	sadd.s32 s0, s3;
	s0 =	sld [smem:$0x3FA3]  }
0x30: {  	s3 =	sld [smem:$0x3FA6]  }
0x31: {  	[smem:$0x3FAF] =	sst s10  }
0x32: {  	s10 =	sld [smem:$0x3FAD];
	_ =	sdelay $0x3  }
0x33: {  	p0 =	seq.s32 s10, $0x1;
	s10 =	sld [smem:$0x3FAF];
	_ =	sdelay $0x3  }
0x34: {  	[smem:$0x3FAF] =	sst s10  }
0x35: {  	s10 =	sld [smem:$0x3FAE];
	_ =	sdelay $0x3  }
0x36: {  	p1 =	seq.s32 s10, $0x1;
	s10 =	sld [smem:$0x3FAF];
	_ =	sdelay $0x3  }
0x37: {  	[smem:$0x3FAF] =	sst s10  }
0x38: {  	s10 =	sld [smem:$0x3FB0]  }
0x39: {  	_ = 	snop;
	(pc) =	sbr.ind lr, $3  }
0x3a: {  	_ = 	snop  }
0x3b: {  	_ = 	snop  }
0x3c: {  	p2 =	seq.s32 s10, $0x1;
	s10 =	sld [smem:$0x3FAF]  }
0x3d: {  	_ =	shalt  }
0x3e: {  	_ =	shalt  }
0x3f: {  	_ =	shalt  }
0x40: {  	_ =	shalt  }
0x41: {  	_ =	shalt  }
0x42: {  	_ =	shalt  }
0x43: {  	_ =	shalt  }
0x44: {  	_ =	shalt  }
0x45: {  	_ =	shalt  }
0x46: {  	_ =	shalt  }
0x47: {  	_ =	shalt  }
0x48: {  	_ =	shalt  }
0x49: {  	_ =	shalt  }
0x4a: {  	_ =	shalt  }
0x4b: {  	_ =	shalt  }
0x4c: {  	_ =	shalt  }
0x4d: {  	_ =	shalt  }
0x4e: {  	_ =	shalt  }
0x4f: {  	_ =	shalt  }
0x50: {  	_ =	shalt  }
0x51: {  	_ =	shalt  }
0x52: {  	_ =	shalt  }
0x53: {  	_ =	shalt  }
0x54: {  	_ =	shalt  }
0x55: {  	_ =	shalt  }
0x56: {  	_ =	shalt  }
0x57: {  	_ =	shalt  }
0x58: {  	_ =	shalt  }
0x59: {  	_ =	shalt  }
0x5a: {  	_ =	shalt  }
0x5b: {  	_ =	shalt  }
0x5c: {  	_ =	shalt  }
0x5d: {  	_ =	shalt  }
0x5e: {  	_ =	shalt  }
0x5f: {  	_ =	shalt  }
0x60: {  	_ =	shalt  }
0x61: {  	_ =	shalt  }
0x62: {  	_ =	shalt  }
0x63: {  	_ =	shalt  }
0x64: {  	_ =	shalt  }
0x65: {  	_ =	shalt  }
0x66: {  	_ =	shalt  }
0x67: {  	_ =	shalt  }
0x68: {  	_ =	shalt  }
0x69: {  	_ =	shalt  }
0x6a: {  	_ =	shalt  }
0x6b: {  	_ =	shalt  }
0x6c: {  	_ =	shalt  }
0x6d: {  	_ =	shalt  }
0x6e: {  	_ =	shalt  }
0x6f: {  	_ =	shalt  }
0x70: {  	_ =	shalt  }
0x71: {  	_ =	shalt  }
0x72: {  	_ =	shalt  }
0x73: {  	_ =	shalt  }
0x74: {  	_ =	shalt  }
0x75: {  	_ =	shalt  }
0x76: {  	_ =	shalt  }
0x77: {  	_ =	shalt  }
0x78: {  	_ =	shalt  }
0x79: {  	_ =	shalt  }
0x7a: {  	_ =	shalt  }
0x7b: {  	_ =	shalt  }
0x7c: {  	_ =	shalt  }
0x7d: {  	_ =	shalt  }
0x7e: {  	_ =	shalt  }
0x7f: {  	_ =	shalt  }
0x80: {  	_ =	shalt  }
0x81: {  	_ =	shalt  }
0x82: {  	_ =	shalt  }
0x83: {  	_ =	shalt  }
0x84: {  	_ =	shalt  }
0x85: {  	_ =	shalt  }
0x86: {  	_ =	shalt  }
0x87: {  	_ =	shalt  }
.Lfunc_end0:
.L_simem_size_0:
called_computation.1_lowered:
.L_overlay_start_0:
0x88: {  	s2 =	sld [smem:$0x3FD9]  }
0x89: {  	s3 =	sld [smem:$0x3FFE];
	_ =	sdelay $0x1  }
0x8a: {  	s1 =	srdreg.scid  }
0x8b: {  	s0 =	sand.u32 $0x1, s1  }
0x8c: {  	s16 =	sshll.u32 s0, $0xA;
	s2 =	sadd.s32 s3, s2  }
0x8d: {  	s2 =	sadd.s32 s2, s16  }
0x8e: {  	[smem:$0x3FBB] =	sst s2  }
0x8f: {  	_ = 	snop  }
0x90: {  	(tm) =	ssettm $0x1  }
0x91: {  	s17 =	sld [smem:$0x3FFB];
	_ =	sdelay $0x3  }
0x92: {  	_ =	strace s17  }
0x93: {  	s2 =	sld [smem:$0x3FFC];
	_ =	sdelay $0x3  }
0x94: {  	_ =	strace s2  }
0x95: {  	s2 =	sld [smem:$0x3FFD];
	_ =	sdelay $0x3  }
0x96: {  	_ =	strace s2  }
0x97: {  	_ =	strace $0x8FFFFFFF  }
0x98: {  	s18 =	sld [smem:$0x3FDB];
	_ =	sdelay $0x1  }
0x99: {  	s19 =	simm.s32 $_scs_section_size  }
0x9a: {  	s4 =	simm.s32 $_size__tile_overlayer_lowered;
	s5 =	simm.s32 $_tile_overlayer_lowered  }
0x9b: {  	s22 =	simm.s32 $0x1BFF;
	s21 =	sshll.u32 s5, $0x1;
	s2 =	sadd.s32 s19, s18  }
0x9c: {  	s6 =	simm.s32 $0x0;
	s20 =	sshll.u32 s4, $0x1;
	s4 =	sadd.s32 s21, s2  }
0x9d: {  	[timem:s6], [sflag:s22] =	dma.local [hbm:s4], s20  }
0x9e: {  	_ =	swait.ge [sflag:s22], s20  }
0x9f: {  	s3 =	ssub.s32 $0x0, s20;
	[sflag:s22] =	ssyncset.done $0x0  }
0xa0: {  	[sflag:s22] =	ssyncadd.s32 s3;
	_ =	sdelay $0x1  }
0xa1: {  	s23 =	simm.s32 $0x1B8B  }
0xa2: {  	_ =	swait.ge [sflag:s23], $0x1  }
0xa3: {  	[sflag:s23] =	ssyncset.done $0x0  }
0xa4: {  	s25 =	simm.s32 $0x1B8E;
	s24 =	sld [smem:$0x3FFE];
	[sflag:s23] =	ssyncadd.s32 $0xFFFFFFFF  }
0xa5: {  	s26 =	simm.s32 $execute0_lowered;
	[smem:$0x3FD2] =	sst s25  }
0xa6: {  	s4 =	sshll.u32 s26, $0x1;
	_ =	strace $0x80000049;
	[dreg:$0x1] =	wrdreg $0xFFFFFFFF  }
0xa7: {  	s28 =	simm.s32 $_size_execute0_lowered;
	s2 =	sadd.s32 s2, s4;
	[dreg:$0x0] =	wrdreg $0x0  }
0xa8: {  	s4 =	sshll.u32 s28, $0x1;
	[dreg:$0x2] =	wrdreg s2  }
0xa9: {  	[dreg:$0x3] =	wrdreg s4  }
0xaa: {  	[dreg:$0x4] =	wrdreg $0xC0  }
0xab: {  	_ =	task [dreg:s6], $0x5FFFF  }
0xac: {  	[dreg:$0x1] =	wrdreg $0xFFFFFFFF  }
0xad: {  	[dreg:$0x0] =	wrdreg $0x60  }
0xae: {  	[dreg:$0x2] =	wrdreg s24  }
0xaf: {  	[dreg:$0x3] =	wrdreg $0xA8000  }
0xb0: {  	[dreg:$0x4] =	wrdreg $0x9  }
0xb1: {  	_ =	task.clear_ibuf [dreg:s6], $0x5FFFF;
	_ =	strace $0x90000049  }
0xb2: {  	s29 =	simm.s32 $0x9;
	_ =	strace $0x8000004B  }
0xb3: {  	_ =	swait.ge [sflag:s29], $0x1  }
0xb4: {  	[sflag:s29] =	ssyncadd.s32 $0xFFFFFFFF  }
0xb5: {  	_ =	strace $0x9000004B  }
0xb6: {  	_ =	sfence  }
0xb7: {  	s30 =	sld [smem:$0x0];
	_ =	sdelay $0x2  }
0xb8: {  	s31 =	sshll.u32 s1, $0xD;
	s1 =	sshrl.u32 s1, $0x2  }
0xb9: {  	s3 =	sand.u32 $0x4000, s31;
	s1 =	sadd.s32 s1, s30  }
0xba: {  	s0 =	sor.u32 s3, s0;
	s1 =	sshll.u32 s1, $0x11  }
0xbb: {  	s0 =	sor.u32 s1, s0  }
0xbc: {  	s0 =	sadd.s32 $0x8F2B, s0  }
0xbd: {  	[sflag:s0] =	ssyncadd.remote.s32 $0x1  }
0xbe: {  	_ =	sfence.sel $0xFFFF  }
0xbf: {  	[dreg:$0x0] =	wrdreg $0xFFFFFFFF;
	(pc) =	sbr.abs _section_cstart, $3  }
0xc0: {  	[dreg:$0x1] =	wrdreg $0xFFFFFFFF  }
0xc1: {  	_ =	task.clear_ibuf [dreg:s6], $0x2FFFF;
	_ =	strace $0x9FFFFFFF  }
0xc2: {  	(tm) =	ssettm $0x7FFFFFFF  }
0xc3: {  	_ =	shalt  }
tec
execute0_lowered:
.L_overlay_start_1:
0x0: {  	(tag) =	ssettag $0x1  }
0x1: {  	s8 =	rddreg [dreg:$0x0]  }
0x2: {  	s2 =	rddreg [dreg:$0x1];
	s3 =	srdreg.scid  }
0x3: {  	s0 =	rddreg [dreg:$0x2];
	s1 =	stileid.u32;
	s17 =	simm.s32 $0x50  }
0x4: {  	s18 =	simm.s32 $0x8000;
	s19 =	simm.s32 $0x1;
	s20 =	simm.s32 $0x0  }
0x5: {  	s5 =	sand.u32 $0x1, s3;
	s3 =	simm.s32 $0x0;
	s7 =	smul.u32 $0x2700, s1  }
0x6: {  	s6 =	sshll.u32 s1, $0xB;
	s10 =	smul.u32 $0x4E000, s1;
	s11 =	sadd.s32 $0x98E00, s8  }
0x7: {  	s29 =	smul.u32 $0x13800, s1;
	s14 =	sadd.s32 $0x124800, s2;
	p0 =	seq.s32 s1, $0xF  }
0x8: {  	s4 =	sshll.u32 s5, $0xF;
	[smem:$0x7FF] =	sst s3;
	s9 =	ssub.s32 $0x2, s5  }
0x9: {  	s13 =	smul.u32 $0x138800, s5;
	s14 =	sshrl.u32 @p0 s14, $0x3;
	s15 =	sshll.u32 @!p0 s1, $0x6  }
0xa: {  	s6 =	sor.u32 s6, s4;
	_ =	strace $0x8000004A;
	s4 =	sadd.s32 $0x13400, s8  }
0xb: {  	s7 =	sadd.s32 s7, s8;
	s12 =	sshrl.u32 s9, $0x1;
	s28 =	sshrl.u32 s10, $0x2  }
0xc: {  	s15 =	sor.u32 @!p0 $0x1C02, s15;
	s6 =	sadd.s32 s6, s8;
	s12 =	ssub.s32 s9, s12  }
0xd: {  	s16 =	sadd.s32 s28, s2;
	s7 =	sadd.s32 $0x3A600, s7;
	s30 =	sadd.s32 s29, s13  }
0xe: {  	s31 =	sshrl.u32 s13, $0x3;
	s8 =	sadd.s32 $0x5EF00, s8;
	s13 =	simm.s32 $0x4000  }
0xf: {  	s5 =	sadd.s32 $0x88E00, s6;
	s6 =	sadd.s32 $0x3400, s6;
	s9 =	sshrl.u32 s30, $0x3  }
0x10: {  	s10 =	sadd.s32 s11, s31;
	s16 =	sshrl.u32 @!p0 s16, $0x3;
	s9 =	sadd.s32 s11, s9  }
0x11: {  	s10 =	sadd.s32 $0x24900, s10;
	s11 =	smax.u32 s12, $0x1;
	s12 =	simm.s32 $0x2  }
.LBB2_1:
0x12: {  	[tilespmem:s3], [sflag:$0x2] =	stream.linear.gather [hbm4b:s5+s3], $0x3E80, $0x38;
	[tilespmem:$0x1E080] =	vst v63  }
0x13: {  	_ =	swait.ge [sflag:s12], $0x3E80  }
0x14: {  	[sflag:s12] =	ssyncset.done $0x0  }
0x15: {  	[sflag:s12] =	ssyncadd.s32 $0xFFFFC180  }
0x16: {  	[tilespmem:s13], [sflag:$0x2] =	stream.linear.gather [hbm4b:s6+s3], $0x3E80, $0x38;
	[tilespmem:$0x1E080] =	vst v63  }
0x17: {  	_ =	swait.ge [sflag:s12], $0x3E80  }
0x18: {  	[sflag:s12] =	ssyncset.done $0x0  }
0x19: {  	s21 =	simm.s32 @p0 $0x1FC2;
	[sflag:s12] =	ssyncadd.s32 $0xFFFFC180  }
0x1a: {  	[spmem:s14], [sflag:s21] =	dma.local @p0 [hbm:s8], $0x2800  }
0x1b: {  	s21 =	simm.s32 @p0 $0x2  }
0x1c: {  	_ =	swait.ge @p0 [sflag:s21], $0x2800  }
0x1d: {  	[sflag:s21] =	ssyncset.done @p0 $0x0  }
0x1e: {  	[sflag:s21] =	ssyncadd.s32 @p0 $0xFFFFD800;
	s21 =	simm.s32 @!p0 $0x2  }
0x1f: {  	[spmem:s16], [sflag:s15] =	dma.local @!p0 [hbm:s7], $0x2700  }
0x20: {  	_ =	swait.ge @!p0 [sflag:s21], $0x2700  }
0x21: {  	[sflag:s21] =	ssyncset.done @!p0 $0x0  }
0x22: {  	[sflag:s21] =	ssyncadd.s32 @!p0 $0xFFFFD900  }
0x23: {  	s30 =	simm.s32 $0x0;
	[bflag:$0x0] =	sbarrier.arrive $0xFFFF  }
0x24: {  	[tilespmem:s18], [sflag:$0x1] =	stream.indirect.gather [hbm4b:s4+s17], $0x80, s30, s17, $0xb8;
	[tilespmem:$0x1E080] =	vst v63  }
0x25: {  	_ =	swait.ge [sflag:s19], $0x2800  }
0x26: {  	[sflag:s19] =	ssyncset.done $0x0  }
0x27: {  	s31 =	simm.s32 $0x4000;
	[sflag:s19] =	ssyncadd.s32 $0xFFFFD800  }
0x28: {  	[spmem:s2] =	stream.indirect.scatter.add.f32 [tilespmem:s18], [sflag:$0x2], $0x80, s31, s17, $0xb8;
	[tilespmem:$0x1E080] =	vst v63  }
0x29: {  	_ =	swait.ge [sflag:s12], $0x2800  }
0x2a: {  	s22 =	simm.s32 $0x400;
	s21 =	simm.s32 $0x200;
	[sflag:s12] =	ssyncset.done $0x0  }
.LBB2_2:
0x2b: {  	s23 =	sshra.s32 s21, $0x2  }
0x2c: {  	[sflag:s12] =	ssyncadd.s32 $0xFFFFD800;
	s21 =	smov.u32 s22;
	s24 =	sadd.s32 $0x200, s22  }
0x2d: {  	[tilespmem:s18], [sflag:$0x1] =	stream.indirect.gather [hbm4b:s4+s17], $0x80, s23, s17, $0xb8;
	[tilespmem:$0x1E080] =	vst v63  }
0x2e: {  	p1 =	sne.s32 s22, $0xF800;
	_ =	swait.ge [sflag:s19], $0x2800  }
.Ltmp0:
0x2f: {  	[sflag:s19] =	ssyncset.done $0x0;
	(pc) =	sbr.rel @p1 .LBB2_2-.Ltmp0, $4  }
0x30: {  	s22 =	sadd.s32 $0x4000, s23;
	[sflag:s19] =	ssyncadd.s32 $0xFFFFD800  }
0x31: {  	[spmem:s2] =	stream.indirect.scatter.add.f32 [tilespmem:s18], [sflag:$0x2], $0x80, s22, s17, $0xb8;
	[tilespmem:$0x1E080] =	vst v63  }
0x32: {  	_ =	swait.ge [sflag:s12], $0x2800  }
0x33: {  	s22 =	smov.u32 s24;
	[sflag:s12] =	ssyncset.done $0x0  }
0x34: {  	s21 =	sshra.s32 s21, $0x2;
	[sflag:s12] =	ssyncadd.s32 $0xFFFFD800  }
0x35: {  	[tilespmem:s18], [sflag:$0x1] =	stream.indirect.gather [hbm4b:s4+s17], $0x80, s21, s17, $0xb8;
	[tilespmem:$0x1E080] =	vst v63  }
0x36: {  	_ =	swait.ge [sflag:s19], $0x2800  }
0x37: {  	[sflag:s19] =	ssyncset.done $0x0  }
0x38: {  	s21 =	sadd.s32 $0x4000, s21;
	[sflag:s19] =	ssyncadd.s32 $0xFFFFD800  }
0x39: {  	[spmem:s2] =	stream.indirect.scatter.add.f32 [tilespmem:s18], [sflag:$0x2], $0x80, s21, s17, $0xb8;
	[tilespmem:$0x1E080] =	vst v63  }
0x3a: {  	_ =	swait.ge [sflag:s12], $0x2800  }
0x3b: {  	[sflag:s12] =	ssyncset.done $0x0  }
0x3c: {  	[sflag:s12] =	ssyncadd.s32 $0xFFFFD800  }
0x3d: {  	s21 =	simm.s32 @p0 $0x1FC2;
	[bflag:$0x0] =	sbarrier.arrive $0xFFFF  }
0x3e: {  	[hbm:s10], [sflag:s21] =	dma.local @p0 [spmem:s14], $0x2800  }
0x3f: {  	s21 =	simm.s32 @p0 $0x2  }
0x40: {  	s20 =	sadd.s32 $0x1, s20;
	_ =	swait.ge @p0 [sflag:s21], $0x2800  }
0x41: {  	p1 =	sne.s32 s20, s11;
	[sflag:s21] =	ssyncset.done @p0 $0x0  }
.Ltmp1:
0x42: {  	[sflag:s21] =	ssyncadd.s32 @p0 $0xFFFFD800;
	s21 =	simm.s32 @!p0 $0x2;
	(pc) =	sbr.rel @p1 .LBB2_1-.Ltmp1, $4  }
0x43: {  	[hbm:s9], [sflag:s15] =	dma.local @!p0 [spmem:s16], $0x2700  }
0x44: {  	_ =	swait.ge @!p0 [sflag:s21], $0x2700  }
0x45: {  	[sflag:s21] =	ssyncset.done @!p0 $0x0  }
0x46: {  	[sflag:s21] =	ssyncadd.s32 @!p0 $0xFFFFD900  }
0x47: {  	_ =	sfence.sel $0x180000  }
0x48: {  	[bflag:$0x0] =	sbarrier.arrive $0xFFFF  }
0x49: {  	p0 =	sne.s32 s1, $0x0;
	_ =	strace $0x9000004A  }
0x4a: {  	s0 =	sadd.s32 @!p0 $0x100000, s0;
	[bflag:$0x2] =	sbarrier.arrive $0xFFFF  }
0x4b: {  	[sflag:s0] =	ssyncadd.tile.s32 @!p0 $0x1;
	_ =	shalt  }
.Lfunc_end2:
_tile_overlayer_lowered:
.L_overlay_start_2:
0x4c: {  	(tag) =	ssettag $0x2  }
0x4d: {  	s0 =	rddreg [dreg:$0x0];
	s2 =	stileid.u32  }
0x4e: {  	s1 =	rddreg [dreg:$0x1];
	p0 =	sne.s32 s2, $0x0  }
0x4f: {  	s3 =	rddreg [dreg:$0x2];
	[bflag:$0x3] =	sbarrier.arrive $0xFFFF;
	s2 =	simm.s32 @!p0 $0x1C02  }
0x50: {  	[timem:s3], [sflag:s2] =	dma.local @!p0 [hbm:s0], s1  }
0x51: {  	s0 =	simm.s32 @!p0 $0x2  }
0x52: {  	_ =	swait.ge @!p0 [sflag:s0], s1  }
0x53: {  	s1 =	ssub.s32 @!p0 $0x0, s1;
	[sflag:s0] =	ssyncset.done @!p0 $0x0  }
0x54: {  	[sflag:s0] =	ssyncadd.s32 @!p0 s1  }
0x55: {  	[bflag:$0x3] =	sbarrier.arrive $0xFFFF  }
0x56: {  	_ =	shalt  }

// kernel: kernel.16.cloned.1.call-start
scs
__scs_entry_jumppad:
0x0: {  	(pc) =	sbr.rel $0x88, $3  }
0x1: {  	(tag) =	ssettag $0x0;
	lr =	simm.s32 $0x1  }
0x2: {  	[smem:$0x3F94] =	sst lr;
	_ =	strace $0xD0000000  }
0x3: {  	_ = 	snop  }
0x4: {  	_ = 	snop  }
0x5: {  	_ = 	snop  }
0x6: {  	_ = 	snop  }
0x7: {  	_ = 	snop  }
__scs_overlays_trampoline_lowered:
0x8: {  	[smem:$0x3FA3] =	sst s0  }
0x9: {  	[smem:$0x3FA4] =	sst s1  }
0xa: {  	[smem:$0x3FA5] =	sst s2  }
0xb: {  	[smem:$0x3FA6] =	sst s3  }
0xc: {  	[smem:$0x3FA7] =	sst s4  }
0xd: {  	[smem:$0x3FA8] =	sst s5  }
0xe: {  	[smem:$0x3FA9] =	sst s6  }
0xf: {  	[smem:$0x3FAA] =	sst s7  }
0x10: {  	[smem:$0x3FAB] =	sst s8  }
0x11: {  	[smem:$0x3FAC] =	sst s9;
	s0 =	simm.s32 @!p0 $0x0  }
0x12: {  	s1 =	sld [smem:$0x3F92];
	s0 =	simm.s32 @p0 $0x1  }
0x13: {  	[smem:$0x3FAD] =	sst s0;
	s0 =	simm.s32 @!p1 $0x0  }
0x14: {  	s2 =	sld [smem:$0x3F91];
	s0 =	simm.s32 @p1 $0x1  }
0x15: {  	[smem:$0x3FAE] =	sst s0;
	s0 =	simm.s32 @!p2 $0x0  }
0x16: {  	s3 =	sld [smem:$0x3FDB];
	s0 =	simm.s32 @p2 $0x1  }
0x17: {  	s4 =	simm.s32 $0x1BF5;
	[smem:$0x3FB0] =	sst s0  }
0x18: {  	s0 =	sld [smem:$0x3F93];
	_ =	swait.ge [sflag:s4], $0x0  }
0x19: {  	s7 =	sld [smem:$0x3F94]  }
0x1a: {  	s8 =	sadd.s32 $0xFFFFE003, lr  }
0x1b: {  	s9 =	sadd.s32 $0xFFFFFEF7, lr;
	s5 =	simm.s32 $0xFFFFFFFF;
	p2 =	slt.u32 s8, $0xFFFFF086  }
0x1c: {  	p1 =	slt.u32 s9, $0xF7A;
	s5 =	simm.s32 @!p2 $0x0  }
0x1d: {  	s5 =	simm.s32 @p1 $0x1;
	p0 =	seq.s32 s7, s2  }
0x1e: {  	s7 =	smul.u32 @!p0 $0xF7A, s2;
	p2 =	seq.s32 @!p0 s5, $0x0  }
0x1f: {  	s9 =	smul.u32 $0xF7A, s1;
	s8 =	simm.s32 @!p0 $0x1BF5;
	p2 =	por !p2, p0  }
0x20: {  	[sflag:s8] =	ssyncset.s32 @!p0 $0xFFFFF086;
	s6 =	sadd.s32 @!p0 s3, s7;
	s7 =	simm.s32 @!p0 $0x108  }
0x21: {  	s3 =	sadd.s32 s3, s9;
	s6 =	sadd.s32 @!p0 $0x88, s6;
	s7 =	simm.s32 @p2 $0x1082  }
0x22: {  	[simem:s7], [sflag:s8] =	dma.local @!p0 [hbm:s6], $0xF7A  }
0x23: {  	s9 =	sor.u32 $0xD0000000, s2;
	s6 =	simm.s32 $0x108;
	_ =	swait.ge @!p0 [sflag:s8], $0x0  }
0x24: {  	s3 =	sadd.s32 $0x88, s3;
	s6 =	simm.s32 @!p1 $0x1082;
	[sflag:s4] =	ssyncset.s32 $0xFFFFF086  }
0x25: {  	[simem:s6], [sflag:s4] =	dma.local [hbm:s3], $0xF7A  }
0x26: {  	[smem:$0x3F94] =	sst s1;
	(tag) =	ssettag s2;
	_ =	strace s9  }
0x27: {  	s1 =	sld [smem:$0x3FA4]  }
0x28: {  	s2 =	sld [smem:$0x3FA5]  }
0x29: {  	s4 =	sld [smem:$0x3FA7]  }
0x2a: {  	p0 =	seq.s32 s5, $0x0;
	s5 =	sld [smem:$0x3FA8]  }
0x2b: {  	s6 =	sld [smem:$0x3FA9]  }
0x2c: {  	s7 =	sld [smem:$0x3FAA]  }
0x2d: {  	s3 =	simm.s32 $0x108;
	s8 =	sld [smem:$0x3FAB]  }
0x2e: {  	s3 =	simm.s32 @!p0 $0x1082;
	s9 =	sld [smem:$0x3FAC]  }
0x2f: {  	lr =	sadd.s32 s0, s3;
	s0 =	sld [smem:$0x3FA3]  }
0x30: {  	s3 =	sld [smem:$0x3FA6]  }
0x31: {  	[smem:$0x3FAF] =	sst s10  }
0x32: {  	s10 =	sld [smem:$0x3FAD];
	_ =	sdelay $0x3  }
0x33: {  	p0 =	seq.s32 s10, $0x1;
	s10 =	sld [smem:$0x3FAF];
	_ =	sdelay $0x3  }
0x34: {  	[smem:$0x3FAF] =	sst s10  }
0x35: {  	s10 =	sld [smem:$0x3FAE];
	_ =	sdelay $0x3  }
0x36: {  	p1 =	seq.s32 s10, $0x1;
	s10 =	sld [smem:$0x3FAF];
	_ =	sdelay $0x3  }
0x37: {  	[smem:$0x3FAF] =	sst s10  }
0x38: {  	s10 =	sld [smem:$0x3FB0]  }
0x39: {  	_ = 	snop;
	(pc) =	sbr.ind lr, $3  }
0x3a: {  	_ = 	snop  }
0x3b: {  	_ = 	snop  }
0x3c: {  	p2 =	seq.s32 s10, $0x1;
	s10 =	sld [smem:$0x3FAF]  }
0x3d: {  	_ =	shalt  }
0x3e: {  	_ =	shalt  }
0x3f: {  	_ =	shalt  }
0x40: {  	_ =	shalt  }
0x41: {  	_ =	shalt  }
0x42: {  	_ =	shalt  }
0x43: {  	_ =	shalt  }
0x44: {  	_ =	shalt  }
0x45: {  	_ =	shalt  }
0x46: {  	_ =	shalt  }
0x47: {  	_ =	shalt  }
0x48: {  	_ =	shalt  }
0x49: {  	_ =	shalt  }
0x4a: {  	_ =	shalt  }
0x4b: {  	_ =	shalt  }
0x4c: {  	_ =	shalt  }
0x4d: {  	_ =	shalt  }
0x4e: {  	_ =	shalt  }
0x4f: {  	_ =	shalt  }
0x50: {  	_ =	shalt  }
0x51: {  	_ =	shalt  }
0x52: {  	_ =	shalt  }
0x53: {  	_ =	shalt  }
0x54: {  	_ =	shalt  }
0x55: {  	_ =	shalt  }
0x56: {  	_ =	shalt  }
0x57: {  	_ =	shalt  }
0x58: {  	_ =	shalt  }
0x59: {  	_ =	shalt  }
0x5a: {  	_ =	shalt  }
0x5b: {  	_ =	shalt  }
0x5c: {  	_ =	shalt  }
0x5d: {  	_ =	shalt  }
0x5e: {  	_ =	shalt  }
0x5f: {  	_ =	shalt  }
0x60: {  	_ =	shalt  }
0x61: {  	_ =	shalt  }
0x62: {  	_ =	shalt  }
0x63: {  	_ =	shalt  }
0x64: {  	_ =	shalt  }
0x65: {  	_ =	shalt  }
0x66: {  	_ =	shalt  }
0x67: {  	_ =	shalt  }
0x68: {  	_ =	shalt  }
0x69: {  	_ =	shalt  }
0x6a: {  	_ =	shalt  }
0x6b: {  	_ =	shalt  }
0x6c: {  	_ =	shalt  }
0x6d: {  	_ =	shalt  }
0x6e: {  	_ =	shalt  }
0x6f: {  	_ =	shalt  }
0x70: {  	_ =	shalt  }
0x71: {  	_ =	shalt  }
0x72: {  	_ =	shalt  }
0x73: {  	_ =	shalt  }
0x74: {  	_ =	shalt  }
0x75: {  	_ =	shalt  }
0x76: {  	_ =	shalt  }
0x77: {  	_ =	shalt  }
0x78: {  	_ =	shalt  }
0x79: {  	_ =	shalt  }
0x7a: {  	_ =	shalt  }
0x7b: {  	_ =	shalt  }
0x7c: {  	_ =	shalt  }
0x7d: {  	_ =	shalt  }
0x7e: {  	_ =	shalt  }
0x7f: {  	_ =	shalt  }
0x80: {  	_ =	shalt  }
0x81: {  	_ =	shalt  }
0x82: {  	_ =	shalt  }
0x83: {  	_ =	shalt  }
0x84: {  	_ =	shalt  }
0x85: {  	_ =	shalt  }
0x86: {  	_ =	shalt  }
0x87: {  	_ =	shalt  }
.Lfunc_end0:
.L_simem_size_0:
called_computation.2_lowered:
.L_overlay_start_0:
0x88: {  	s2 =	sld [smem:$0x3FD9]  }
0x89: {  	s3 =	sld [smem:$0x3FFE];
	_ =	sdelay $0x1  }
0x8a: {  	s1 =	srdreg.scid  }
0x8b: {  	s0 =	sand.u32 $0x1, s1  }
0x8c: {  	s16 =	sshll.u32 s0, $0xA;
	s2 =	sadd.s32 s3, s2  }
0x8d: {  	s2 =	sadd.s32 s2, s16  }
0x8e: {  	[smem:$0x3FBB] =	sst s2  }
0x8f: {  	_ = 	snop  }
0x90: {  	(tm) =	ssettm $0x1  }
0x91: {  	s17 =	sld [smem:$0x3FFB];
	_ =	sdelay $0x3  }
0x92: {  	_ =	strace s17  }
0x93: {  	s2 =	sld [smem:$0x3FFC];
	_ =	sdelay $0x3  }
0x94: {  	_ =	strace s2  }
0x95: {  	s2 =	sld [smem:$0x3FFD];
	_ =	sdelay $0x3  }
0x96: {  	_ =	strace s2  }
0x97: {  	_ =	strace $0x8FFFFFFF  }
0x98: {  	s18 =	sld [smem:$0x3FDB];
	_ =	sdelay $0x1  }
0x99: {  	s19 =	simm.s32 $_scs_section_size  }
0x9a: {  	s4 =	simm.s32 $_size__tile_overlayer_lowered;
	s5 =	simm.s32 $_tile_overlayer_lowered  }
0x9b: {  	s22 =	simm.s32 $0x1BFF;
	s21 =	sshll.u32 s5, $0x1;
	s2 =	sadd.s32 s19, s18  }
0x9c: {  	s6 =	simm.s32 $0x0;
	s20 =	sshll.u32 s4, $0x1;
	s4 =	sadd.s32 s21, s2  }
0x9d: {  	[timem:s6], [sflag:s22] =	dma.local [hbm:s4], s20  }
0x9e: {  	_ =	swait.ge [sflag:s22], s20  }
0x9f: {  	s3 =	ssub.s32 $0x0, s20;
	[sflag:s22] =	ssyncset.done $0x0  }
0xa0: {  	[sflag:s22] =	ssyncadd.s32 s3;
	_ =	sdelay $0x1  }
0xa1: {  	s23 =	simm.s32 $0x1B8B  }
0xa2: {  	_ =	swait.ge [sflag:s23], $0x1  }
0xa3: {  	[sflag:s23] =	ssyncset.done $0x0  }
0xa4: {  	s25 =	simm.s32 $0x1B8E;
	s24 =	sld [smem:$0x3FFE];
	[sflag:s23] =	ssyncadd.s32 $0xFFFFFFFF  }
0xa5: {  	s26 =	simm.s32 $execute0_lowered;
	[smem:$0x3FD2] =	sst s25  }
0xa6: {  	s4 =	sshll.u32 s26, $0x1;
	_ =	strace $0x8000004C;
	[dreg:$0x1] =	wrdreg $0xFFFFFFFF  }
0xa7: {  	s28 =	simm.s32 $_size_execute0_lowered;
	s2 =	sadd.s32 s2, s4;
	[dreg:$0x0] =	wrdreg $0x0  }
0xa8: {  	s4 =	sshll.u32 s28, $0x1;
	[dreg:$0x2] =	wrdreg s2  }
0xa9: {  	[dreg:$0x3] =	wrdreg s4  }
0xaa: {  	[dreg:$0x4] =	wrdreg $0xC0  }
0xab: {  	_ =	task [dreg:s6], $0x5FFFF  }
0xac: {  	[dreg:$0x1] =	wrdreg $0xFFFFFFFF  }
0xad: {  	[dreg:$0x0] =	wrdreg $0x60  }
0xae: {  	[dreg:$0x2] =	wrdreg s24  }
0xaf: {  	[dreg:$0x3] =	wrdreg $0xA8000  }
0xb0: {  	[dreg:$0x4] =	wrdreg $0x9  }
0xb1: {  	_ =	task.clear_ibuf [dreg:s6], $0x5FFFF;
	_ =	strace $0x9000004C  }
0xb2: {  	s29 =	simm.s32 $0x9;
	_ =	strace $0x8000004E  }
0xb3: {  	_ =	swait.ge [sflag:s29], $0x1  }
0xb4: {  	[sflag:s29] =	ssyncadd.s32 $0xFFFFFFFF  }
0xb5: {  	_ =	strace $0x9000004E  }
0xb6: {  	_ =	sfence  }
0xb7: {  	s30 =	sld [smem:$0x0];
	_ =	sdelay $0x2  }
0xb8: {  	s31 =	sshll.u32 s1, $0xD;
	s1 =	sshrl.u32 s1, $0x2  }
0xb9: {  	s3 =	sand.u32 $0x4000, s31;
	s1 =	sadd.s32 s1, s30  }
0xba: {  	s0 =	sor.u32 s3, s0;
	s1 =	sshll.u32 s1, $0x11  }
0xbb: {  	s0 =	sor.u32 s1, s0  }
0xbc: {  	s0 =	sadd.s32 $0x8F2B, s0  }
0xbd: {  	[sflag:s0] =	ssyncadd.remote.s32 $0x1  }
0xbe: {  	_ =	sfence.sel $0xFFFF  }
0xbf: {  	[dreg:$0x0] =	wrdreg $0xFFFFFFFF;
	(pc) =	sbr.abs _section_cstart, $3  }
0xc0: {  	[dreg:$0x1] =	wrdreg $0xFFFFFFFF  }
0xc1: {  	_ =	task.clear_ibuf [dreg:s6], $0x2FFFF;
	_ =	strace $0x9FFFFFFF  }
0xc2: {  	(tm) =	ssettm $0x7FFFFFFF  }
0xc3: {  	_ =	shalt  }
tec
execute0_lowered:
.L_overlay_start_1:
0x0: {  	(tag) =	ssettag $0x1  }
0x1: {  	s8 =	rddreg [dreg:$0x0]  }
0x2: {  	s2 =	rddreg [dreg:$0x1];
	s3 =	srdreg.scid  }
0x3: {  	s0 =	rddreg [dreg:$0x2];
	s1 =	stileid.u32;
	s17 =	simm.s32 $0x50  }
0x4: {  	s18 =	simm.s32 $0x8000;
	s19 =	simm.s32 $0x1;
	s20 =	simm.s32 $0x0  }
0x5: {  	s5 =	sand.u32 $0x1, s3;
	s3 =	simm.s32 $0x0;
	s7 =	smul.u32 $0x2700, s1  }
0x6: {  	s6 =	sshll.u32 s1, $0xB;
	s10 =	smul.u32 $0x4E000, s1;
	s11 =	sadd.s32 $0x98E00, s8  }
0x7: {  	s29 =	smul.u32 $0x13800, s1;
	s14 =	sadd.s32 $0x124800, s2;
	p0 =	seq.s32 s1, $0xF  }
0x8: {  	s4 =	sshll.u32 s5, $0xF;
	[smem:$0x7FF] =	sst s3;
	s9 =	ssub.s32 $0x2, s5  }
0x9: {  	s13 =	smul.u32 $0x138800, s5;
	s14 =	sshrl.u32 @p0 s14, $0x3;
	s15 =	sshll.u32 @!p0 s1, $0x6  }
0xa: {  	s6 =	sor.u32 s6, s4;
	_ =	strace $0x8000004D;
	s4 =	sadd.s32 $0x13400, s8  }
0xb: {  	s7 =	sadd.s32 s7, s8;
	s12 =	sshrl.u32 s9, $0x1;
	s28 =	sshrl.u32 s10, $0x2  }
0xc: {  	s15 =	sor.u32 @!p0 $0x1C02, s15;
	s6 =	sadd.s32 s6, s8;
	s12 =	ssub.s32 s9, s12  }
0xd: {  	s16 =	sadd.s32 s28, s2;
	s7 =	sadd.s32 $0x3A600, s7;
	s30 =	sadd.s32 s29, s13  }
0xe: {  	s31 =	sshrl.u32 s13, $0x3;
	s8 =	sadd.s32 $0x5EF00, s8;
	s13 =	simm.s32 $0x4000  }
0xf: {  	s5 =	sadd.s32 $0x88E00, s6;
	s6 =	sadd.s32 $0x3400, s6;
	s9 =	sshrl.u32 s30, $0x3  }
0x10: {  	s10 =	sadd.s32 s11, s31;
	s16 =	sshrl.u32 @!p0 s16, $0x3;
	s9 =	sadd.s32 s11, s9  }
0x11: {  	s10 =	sadd.s32 $0x24900, s10;
	s11 =	smax.u32 s12, $0x1;
	s12 =	simm.s32 $0x2  }
.LBB2_1:
0x12: {  	[tilespmem:s3], [sflag:$0x2] =	stream.linear.gather [hbm4b:s5+s3], $0x3E80, $0x38;
	[tilespmem:$0x1E080] =	vst v63  }
0x13: {  	_ =	swait.ge [sflag:s12], $0x3E80  }
0x14: {  	[sflag:s12] =	ssyncset.done $0x0  }
0x15: {  	[sflag:s12] =	ssyncadd.s32 $0xFFFFC180  }
0x16: {  	[tilespmem:s13], [sflag:$0x2] =	stream.linear.gather [hbm4b:s6+s3], $0x3E80, $0x38;
	[tilespmem:$0x1E080] =	vst v63  }
0x17: {  	_ =	swait.ge [sflag:s12], $0x3E80  }
0x18: {  	[sflag:s12] =	ssyncset.done $0x0  }
0x19: {  	s21 =	simm.s32 @p0 $0x1FC2;
	[sflag:s12] =	ssyncadd.s32 $0xFFFFC180  }
0x1a: {  	[spmem:s14], [sflag:s21] =	dma.local @p0 [hbm:s8], $0x2800  }
0x1b: {  	s21 =	simm.s32 @p0 $0x2  }
0x1c: {  	_ =	swait.ge @p0 [sflag:s21], $0x2800  }
0x1d: {  	[sflag:s21] =	ssyncset.done @p0 $0x0  }
0x1e: {  	[sflag:s21] =	ssyncadd.s32 @p0 $0xFFFFD800;
	s21 =	simm.s32 @!p0 $0x2  }
0x1f: {  	[spmem:s16], [sflag:s15] =	dma.local @!p0 [hbm:s7], $0x2700  }
0x20: {  	_ =	swait.ge @!p0 [sflag:s21], $0x2700  }
0x21: {  	[sflag:s21] =	ssyncset.done @!p0 $0x0  }
0x22: {  	[sflag:s21] =	ssyncadd.s32 @!p0 $0xFFFFD900  }
0x23: {  	s30 =	simm.s32 $0x0;
	[bflag:$0x0] =	sbarrier.arrive $0xFFFF  }
0x24: {  	[tilespmem:s18], [sflag:$0x1] =	stream.indirect.gather [hbm4b:s4+s17], $0x80, s30, s17, $0xb8;
	[tilespmem:$0x1E080] =	vst v63  }
0x25: {  	_ =	swait.ge [sflag:s19], $0x2800  }
0x26: {  	[sflag:s19] =	ssyncset.done $0x0  }
0x27: {  	s31 =	simm.s32 $0x4000;
	[sflag:s19] =	ssyncadd.s32 $0xFFFFD800  }
0x28: {  	[spmem:s2] =	stream.indirect.scatter.add.f32 [tilespmem:s18], [sflag:$0x2], $0x80, s31, s17, $0xb8;
	[tilespmem:$0x1E080] =	vst v63  }
0x29: {  	_ =	swait.ge [sflag:s12], $0x2800  }
0x2a: {  	s22 =	simm.s32 $0x400;
	s21 =	simm.s32 $0x200;
	[sflag:s12] =	ssyncset.done $0x0  }
.LBB2_2:
0x2b: {  	s23 =	sshra.s32 s21, $0x2  }
0x2c: {  	[sflag:s12] =	ssyncadd.s32 $0xFFFFD800;
	s21 =	smov.u32 s22;
	s24 =	sadd.s32 $0x200, s22  }
0x2d: {  	[tilespmem:s18], [sflag:$0x1] =	stream.indirect.gather [hbm4b:s4+s17], $0x80, s23, s17, $0xb8;
	[tilespmem:$0x1E080] =	vst v63  }
0x2e: {  	p1 =	sne.s32 s22, $0xF800;
	_ =	swait.ge [sflag:s19], $0x2800  }
.Ltmp0:
0x2f: {  	[sflag:s19] =	ssyncset.done $0x0;
	(pc) =	sbr.rel @p1 .LBB2_2-.Ltmp0, $4  }
0x30: {  	s22 =	sadd.s32 $0x4000, s23;
	[sflag:s19] =	ssyncadd.s32 $0xFFFFD800  }
0x31: {  	[spmem:s2] =	stream.indirect.scatter.add.f32 [tilespmem:s18], [sflag:$0x2], $0x80, s22, s17, $0xb8;
	[tilespmem:$0x1E080] =	vst v63  }
0x32: {  	_ =	swait.ge [sflag:s12], $0x2800  }
0x33: {  	s22 =	smov.u32 s24;
	[sflag:s12] =	ssyncset.done $0x0  }
0x34: {  	s21 =	sshra.s32 s21, $0x2;
	[sflag:s12] =	ssyncadd.s32 $0xFFFFD800  }
0x35: {  	[tilespmem:s18], [sflag:$0x1] =	stream.indirect.gather [hbm4b:s4+s17], $0x80, s21, s17, $0xb8;
	[tilespmem:$0x1E080] =	vst v63  }
0x36: {  	_ =	swait.ge [sflag:s19], $0x2800  }
0x37: {  	[sflag:s19] =	ssyncset.done $0x0  }
0x38: {  	s21 =	sadd.s32 $0x4000, s21;
	[sflag:s19] =	ssyncadd.s32 $0xFFFFD800  }
0x39: {  	[spmem:s2] =	stream.indirect.scatter.add.f32 [tilespmem:s18], [sflag:$0x2], $0x80, s21, s17, $0xb8;
	[tilespmem:$0x1E080] =	vst v63  }
0x3a: {  	_ =	swait.ge [sflag:s12], $0x2800  }
0x3b: {  	[sflag:s12] =	ssyncset.done $0x0  }
0x3c: {  	[sflag:s12] =	ssyncadd.s32 $0xFFFFD800  }
0x3d: {  	s21 =	simm.s32 @p0 $0x1FC2;
	[bflag:$0x0] =	sbarrier.arrive $0xFFFF  }
0x3e: {  	[hbm:s10], [sflag:s21] =	dma.local @p0 [spmem:s14], $0x2800  }
0x3f: {  	s21 =	simm.s32 @p0 $0x2  }
0x40: {  	s20 =	sadd.s32 $0x1, s20;
	_ =	swait.ge @p0 [sflag:s21], $0x2800  }
0x41: {  	p1 =	sne.s32 s20, s11;
	[sflag:s21] =	ssyncset.done @p0 $0x0  }
.Ltmp1:
0x42: {  	[sflag:s21] =	ssyncadd.s32 @p0 $0xFFFFD800;
	s21 =	simm.s32 @!p0 $0x2;
	(pc) =	sbr.rel @p1 .LBB2_1-.Ltmp1, $4  }
0x43: {  	[hbm:s9], [sflag:s15] =	dma.local @!p0 [spmem:s16], $0x2700  }
0x44: {  	_ =	swait.ge @!p0 [sflag:s21], $0x2700  }
0x45: {  	[sflag:s21] =	ssyncset.done @!p0 $0x0  }
0x46: {  	[sflag:s21] =	ssyncadd.s32 @!p0 $0xFFFFD900  }
0x47: {  	_ =	sfence.sel $0x180000  }
0x48: {  	[bflag:$0x0] =	sbarrier.arrive $0xFFFF  }
0x49: {  	p0 =	sne.s32 s1, $0x0;
	_ =	strace $0x9000004D  }
0x4a: {  	s0 =	sadd.s32 @!p0 $0x100000, s0;
	[bflag:$0x2] =	sbarrier.arrive $0xFFFF  }
0x4b: {  	[sflag:s0] =	ssyncadd.tile.s32 @!p0 $0x1;
	_ =	shalt  }
.Lfunc_end2:
_tile_overlayer_lowered:
.L_overlay_start_2:
0x4c: {  	(tag) =	ssettag $0x2  }
0x4d: {  	s0 =	rddreg [dreg:$0x0];
	s2 =	stileid.u32  }
0x4e: {  	s1 =	rddreg [dreg:$0x1];
	p0 =	sne.s32 s2, $0x0  }
0x4f: {  	s3 =	rddreg [dreg:$0x2];
	[bflag:$0x3] =	sbarrier.arrive $0xFFFF;
	s2 =	simm.s32 @!p0 $0x1C02  }
0x50: {  	[timem:s3], [sflag:s2] =	dma.local @!p0 [hbm:s0], s1  }
0x51: {  	s0 =	simm.s32 @!p0 $0x2  }
0x52: {  	_ =	swait.ge @!p0 [sflag:s0], s1  }
0x53: {  	s1 =	ssub.s32 @!p0 $0x0, s1;
	[sflag:s0] =	ssyncset.done @!p0 $0x0  }
0x54: {  	[sflag:s0] =	ssyncadd.s32 @!p0 s1  }
0x55: {  	[bflag:$0x3] =	sbarrier.arrive $0xFFFF  }
0x56: {  	_ =	shalt  }

// kernel: kernel.19.cloned.1.call-start
scs
__scs_entry_jumppad:
0x0: {  	(pc) =	sbr.rel $0x88, $3  }
0x1: {  	(tag) =	ssettag $0x0;
	lr =	simm.s32 $0x1  }
0x2: {  	[smem:$0x3F94] =	sst lr;
	_ =	strace $0xD0000000  }
0x3: {  	_ = 	snop  }
0x4: {  	_ = 	snop  }
0x5: {  	_ = 	snop  }
0x6: {  	_ = 	snop  }
0x7: {  	_ = 	snop  }
__scs_overlays_trampoline_lowered:
0x8: {  	[smem:$0x3FA3] =	sst s0  }
0x9: {  	[smem:$0x3FA4] =	sst s1  }
0xa: {  	[smem:$0x3FA5] =	sst s2  }
0xb: {  	[smem:$0x3FA6] =	sst s3  }
0xc: {  	[smem:$0x3FA7] =	sst s4  }
0xd: {  	[smem:$0x3FA8] =	sst s5  }
0xe: {  	[smem:$0x3FA9] =	sst s6  }
0xf: {  	[smem:$0x3FAA] =	sst s7  }
0x10: {  	[smem:$0x3FAB] =	sst s8  }
0x11: {  	[smem:$0x3FAC] =	sst s9;
	s0 =	simm.s32 @!p0 $0x0  }
0x12: {  	s1 =	sld [smem:$0x3F92];
	s0 =	simm.s32 @p0 $0x1  }
0x13: {  	[smem:$0x3FAD] =	sst s0;
	s0 =	simm.s32 @!p1 $0x0  }
0x14: {  	s2 =	sld [smem:$0x3F91];
	s0 =	simm.s32 @p1 $0x1  }
0x15: {  	[smem:$0x3FAE] =	sst s0;
	s0 =	simm.s32 @!p2 $0x0  }
0x16: {  	s3 =	sld [smem:$0x3FDB];
	s0 =	simm.s32 @p2 $0x1  }
0x17: {  	s4 =	simm.s32 $0x1BF5;
	[smem:$0x3FB0] =	sst s0  }
0x18: {  	s0 =	sld [smem:$0x3F93];
	_ =	swait.ge [sflag:s4], $0x0  }
0x19: {  	s7 =	sld [smem:$0x3F94]  }
0x1a: {  	s8 =	sadd.s32 $0xFFFFE003, lr  }
0x1b: {  	s9 =	sadd.s32 $0xFFFFFEF7, lr;
	s5 =	simm.s32 $0xFFFFFFFF;
	p2 =	slt.u32 s8, $0xFFFFF086  }
0x1c: {  	p1 =	slt.u32 s9, $0xF7A;
	s5 =	simm.s32 @!p2 $0x0  }
0x1d: {  	s5 =	simm.s32 @p1 $0x1;
	p0 =	seq.s32 s7, s2  }
0x1e: {  	s7 =	smul.u32 @!p0 $0xF7A, s2;
	p2 =	seq.s32 @!p0 s5, $0x0  }
0x1f: {  	s9 =	smul.u32 $0xF7A, s1;
	s8 =	simm.s32 @!p0 $0x1BF5;
	p2 =	por !p2, p0  }
0x20: {  	[sflag:s8] =	ssyncset.s32 @!p0 $0xFFFFF086;
	s6 =	sadd.s32 @!p0 s3, s7;
	s7 =	simm.s32 @!p0 $0x108  }
0x21: {  	s3 =	sadd.s32 s3, s9;
	s6 =	sadd.s32 @!p0 $0x88, s6;
	s7 =	simm.s32 @p2 $0x1082  }
0x22: {  	[simem:s7], [sflag:s8] =	dma.local @!p0 [hbm:s6], $0xF7A  }
0x23: {  	s9 =	sor.u32 $0xD0000000, s2;
	s6 =	simm.s32 $0x108;
	_ =	swait.ge @!p0 [sflag:s8], $0x0  }
0x24: {  	s3 =	sadd.s32 $0x88, s3;
	s6 =	simm.s32 @!p1 $0x1082;
	[sflag:s4] =	ssyncset.s32 $0xFFFFF086  }
0x25: {  	[simem:s6], [sflag:s4] =	dma.local [hbm:s3], $0xF7A  }
0x26: {  	[smem:$0x3F94] =	sst s1;
	(tag) =	ssettag s2;
	_ =	strace s9  }
0x27: {  	s1 =	sld [smem:$0x3FA4]  }
0x28: {  	s2 =	sld [smem:$0x3FA5]  }
0x29: {  	s4 =	sld [smem:$0x3FA7]  }
0x2a: {  	p0 =	seq.s32 s5, $0x0;
	s5 =	sld [smem:$0x3FA8]  }
0x2b: {  	s6 =	sld [smem:$0x3FA9]  }
0x2c: {  	s7 =	sld [smem:$0x3FAA]  }
0x2d: {  	s3 =	simm.s32 $0x108;
	s8 =	sld [smem:$0x3FAB]  }
0x2e: {  	s3 =	simm.s32 @!p0 $0x1082;
	s9 =	sld [smem:$0x3FAC]  }
0x2f: {  	lr =	sadd.s32 s0, s3;
	s0 =	sld [smem:$0x3FA3]  }
0x30: {  	s3 =	sld [smem:$0x3FA6]  }
0x31: {  	[smem:$0x3FAF] =	sst s10  }
0x32: {  	s10 =	sld [smem:$0x3FAD];
	_ =	sdelay $0x3  }
0x33: {  	p0 =	seq.s32 s10, $0x1;
	s10 =	sld [smem:$0x3FAF];
	_ =	sdelay $0x3  }
0x34: {  	[smem:$0x3FAF] =	sst s10  }
0x35: {  	s10 =	sld [smem:$0x3FAE];
	_ =	sdelay $0x3  }
0x36: {  	p1 =	seq.s32 s10, $0x1;
	s10 =	sld [smem:$0x3FAF];
	_ =	sdelay $0x3  }
0x37: {  	[smem:$0x3FAF] =	sst s10  }
0x38: {  	s10 =	sld [smem:$0x3FB0]  }
0x39: {  	_ = 	snop;
	(pc) =	sbr.ind lr, $3  }
0x3a: {  	_ = 	snop  }
0x3b: {  	_ = 	snop  }
0x3c: {  	p2 =	seq.s32 s10, $0x1;
	s10 =	sld [smem:$0x3FAF]  }
0x3d: {  	_ =	shalt  }
0x3e: {  	_ =	shalt  }
0x3f: {  	_ =	shalt  }
0x40: {  	_ =	shalt  }
0x41: {  	_ =	shalt  }
0x42: {  	_ =	shalt  }
0x43: {  	_ =	shalt  }
0x44: {  	_ =	shalt  }
0x45: {  	_ =	shalt  }
0x46: {  	_ =	shalt  }
0x47: {  	_ =	shalt  }
0x48: {  	_ =	shalt  }
0x49: {  	_ =	shalt  }
0x4a: {  	_ =	shalt  }
0x4b: {  	_ =	shalt  }
0x4c: {  	_ =	shalt  }
0x4d: {  	_ =	shalt  }
0x4e: {  	_ =	shalt  }
0x4f: {  	_ =	shalt  }
0x50: {  	_ =	shalt  }
0x51: {  	_ =	shalt  }
0x52: {  	_ =	shalt  }
0x53: {  	_ =	shalt  }
0x54: {  	_ =	shalt  }
0x55: {  	_ =	shalt  }
0x56: {  	_ =	shalt  }
0x57: {  	_ =	shalt  }
0x58: {  	_ =	shalt  }
0x59: {  	_ =	shalt  }
0x5a: {  	_ =	shalt  }
0x5b: {  	_ =	shalt  }
0x5c: {  	_ =	shalt  }
0x5d: {  	_ =	shalt  }
0x5e: {  	_ =	shalt  }
0x5f: {  	_ =	shalt  }
0x60: {  	_ =	shalt  }
0x61: {  	_ =	shalt  }
0x62: {  	_ =	shalt  }
0x63: {  	_ =	shalt  }
0x64: {  	_ =	shalt  }
0x65: {  	_ =	shalt  }
0x66: {  	_ =	shalt  }
0x67: {  	_ =	shalt  }
0x68: {  	_ =	shalt  }
0x69: {  	_ =	shalt  }
0x6a: {  	_ =	shalt  }
0x6b: {  	_ =	shalt  }
0x6c: {  	_ =	shalt  }
0x6d: {  	_ =	shalt  }
0x6e: {  	_ =	shalt  }
0x6f: {  	_ =	shalt  }
0x70: {  	_ =	shalt  }
0x71: {  	_ =	shalt  }
0x72: {  	_ =	shalt  }
0x73: {  	_ =	shalt  }
0x74: {  	_ =	shalt  }
0x75: {  	_ =	shalt  }
0x76: {  	_ =	shalt  }
0x77: {  	_ =	shalt  }
0x78: {  	_ =	shalt  }
0x79: {  	_ =	shalt  }
0x7a: {  	_ =	shalt  }
0x7b: {  	_ =	shalt  }
0x7c: {  	_ =	shalt  }
0x7d: {  	_ =	shalt  }
0x7e: {  	_ =	shalt  }
0x7f: {  	_ =	shalt  }
0x80: {  	_ =	shalt  }
0x81: {  	_ =	shalt  }
0x82: {  	_ =	shalt  }
0x83: {  	_ =	shalt  }
0x84: {  	_ =	shalt  }
0x85: {  	_ =	shalt  }
0x86: {  	_ =	shalt  }
0x87: {  	_ =	shalt  }
.Lfunc_end0:
.L_simem_size_0:
called_computation.3_lowered:
.L_overlay_start_0:
0x88: {  	s2 =	sld [smem:$0x3FD9]  }
0x89: {  	s3 =	sld [smem:$0x3FFE];
	_ =	sdelay $0x1  }
0x8a: {  	s1 =	srdreg.scid  }
0x8b: {  	s0 =	sand.u32 $0x1, s1  }
0x8c: {  	s16 =	sshll.u32 s0, $0xA;
	s2 =	sadd.s32 s3, s2  }
0x8d: {  	s2 =	sadd.s32 s2, s16  }
0x8e: {  	[smem:$0x3FBB] =	sst s2  }
0x8f: {  	_ = 	snop  }
0x90: {  	(tm) =	ssettm $0x1  }
0x91: {  	s17 =	sld [smem:$0x3FFB];
	_ =	sdelay $0x3  }
0x92: {  	_ =	strace s17  }
0x93: {  	s2 =	sld [smem:$0x3FFC];
	_ =	sdelay $0x3  }
0x94: {  	_ =	strace s2  }
0x95: {  	s2 =	sld [smem:$0x3FFD];
	_ =	sdelay $0x3  }
0x96: {  	_ =	strace s2  }
0x97: {  	_ =	strace $0x8FFFFFFF  }
0x98: {  	s18 =	sld [smem:$0x3FDB];
	_ =	sdelay $0x1  }
0x99: {  	s19 =	simm.s32 $_scs_section_size  }
0x9a: {  	s4 =	simm.s32 $_size__tile_overlayer_lowered;
	s5 =	simm.s32 $_tile_overlayer_lowered  }
0x9b: {  	s22 =	simm.s32 $0x1BFF;
	s21 =	sshll.u32 s5, $0x1;
	s2 =	sadd.s32 s19, s18  }
0x9c: {  	s6 =	simm.s32 $0x0;
	s20 =	sshll.u32 s4, $0x1;
	s4 =	sadd.s32 s21, s2  }
0x9d: {  	[timem:s6], [sflag:s22] =	dma.local [hbm:s4], s20  }
0x9e: {  	_ =	swait.ge [sflag:s22], s20  }
0x9f: {  	s3 =	ssub.s32 $0x0, s20;
	[sflag:s22] =	ssyncset.done $0x0  }
0xa0: {  	[sflag:s22] =	ssyncadd.s32 s3;
	_ =	sdelay $0x1  }
0xa1: {  	s23 =	simm.s32 $0x1B8B  }
0xa2: {  	_ =	swait.ge [sflag:s23], $0x1  }
0xa3: {  	[sflag:s23] =	ssyncset.done $0x0  }
0xa4: {  	s25 =	simm.s32 $0x1B8E;
	s24 =	sld [smem:$0x3FFE];
	[sflag:s23] =	ssyncadd.s32 $0xFFFFFFFF  }
0xa5: {  	s26 =	simm.s32 $execute0_lowered;
	[smem:$0x3FD2] =	sst s25  }
0xa6: {  	s4 =	sshll.u32 s26, $0x1;
	_ =	strace $0x8000004F;
	[dreg:$0x1] =	wrdreg $0xFFFFFFFF  }
0xa7: {  	s28 =	simm.s32 $_size_execute0_lowered;
	s2 =	sadd.s32 s2, s4;
	[dreg:$0x0] =	wrdreg $0x0  }
0xa8: {  	s4 =	sshll.u32 s28, $0x1;
	[dreg:$0x2] =	wrdreg s2  }
0xa9: {  	[dreg:$0x3] =	wrdreg s4  }
0xaa: {  	[dreg:$0x4] =	wrdreg $0xC0  }
0xab: {  	_ =	task [dreg:s6], $0x5FFFF  }
0xac: {  	[dreg:$0x1] =	wrdreg $0xFFFFFFFF  }
0xad: {  	[dreg:$0x0] =	wrdreg $0x60  }
0xae: {  	[dreg:$0x2] =	wrdreg s24  }
0xaf: {  	[dreg:$0x3] =	wrdreg $0xA8000  }
0xb0: {  	[dreg:$0x4] =	wrdreg $0x9  }
0xb1: {  	_ =	task.clear_ibuf [dreg:s6], $0x5FFFF;
	_ =	strace $0x9000004F  }
0xb2: {  	s29 =	simm.s32 $0x9;
	_ =	strace $0x80000051  }
0xb3: {  	_ =	swait.ge [sflag:s29], $0x1  }
0xb4: {  	[sflag:s29] =	ssyncadd.s32 $0xFFFFFFFF  }
0xb5: {  	_ =	strace $0x90000051  }
0xb6: {  	_ =	sfence  }
0xb7: {  	s30 =	sld [smem:$0x0];
	_ =	sdelay $0x2  }
0xb8: {  	s31 =	sshll.u32 s1, $0xD;
	s1 =	sshrl.u32 s1, $0x2  }
0xb9: {  	s3 =	sand.u32 $0x4000, s31;
	s1 =	sadd.s32 s1, s30  }
0xba: {  	s0 =	sor.u32 s3, s0;
	s1 =	sshll.u32 s1, $0x11  }
0xbb: {  	s0 =	sor.u32 s1, s0  }
0xbc: {  	s0 =	sadd.s32 $0x8F2B, s0  }
0xbd: {  	[sflag:s0] =	ssyncadd.remote.s32 $0x1  }
0xbe: {  	_ =	sfence.sel $0xFFFF  }
0xbf: {  	[dreg:$0x0] =	wrdreg $0xFFFFFFFF;
	(pc) =	sbr.abs _section_cstart, $3  }
0xc0: {  	[dreg:$0x1] =	wrdreg $0xFFFFFFFF  }
0xc1: {  	_ =	task.clear_ibuf [dreg:s6], $0x2FFFF;
	_ =	strace $0x9FFFFFFF  }
0xc2: {  	(tm) =	ssettm $0x7FFFFFFF  }
0xc3: {  	_ =	shalt  }
tec
execute0_lowered:
.L_overlay_start_1:
0x0: {  	(tag) =	ssettag $0x1  }
0x1: {  	s8 =	rddreg [dreg:$0x0]  }
0x2: {  	s2 =	rddreg [dreg:$0x1];
	s3 =	srdreg.scid  }
0x3: {  	s0 =	rddreg [dreg:$0x2];
	s1 =	stileid.u32;
	s17 =	simm.s32 $0x50  }
0x4: {  	s18 =	simm.s32 $0x8000;
	s19 =	simm.s32 $0x1;
	s20 =	simm.s32 $0x0  }
0x5: {  	s5 =	sand.u32 $0x1, s3;
	s3 =	simm.s32 $0x0;
	s7 =	smul.u32 $0x2700, s1  }
0x6: {  	s6 =	sshll.u32 s1, $0xB;
	s10 =	smul.u32 $0x4E000, s1;
	s11 =	sadd.s32 $0x98E00, s8  }
0x7: {  	s29 =	smul.u32 $0x13800, s1;
	s14 =	sadd.s32 $0x124800, s2;
	p0 =	seq.s32 s1, $0xF  }
0x8: {  	s4 =	sshll.u32 s5, $0xF;
	[smem:$0x7FF] =	sst s3;
	s9 =	ssub.s32 $0x2, s5  }
0x9: {  	s13 =	smul.u32 $0x138800, s5;
	s14 =	sshrl.u32 @p0 s14, $0x3;
	s15 =	sshll.u32 @!p0 s1, $0x6  }
0xa: {  	s6 =	sor.u32 s6, s4;
	_ =	strace $0x80000050;
	s4 =	sadd.s32 $0x13400, s8  }
0xb: {  	s7 =	sadd.s32 s7, s8;
	s12 =	sshrl.u32 s9, $0x1;
	s28 =	sshrl.u32 s10, $0x2  }
0xc: {  	s15 =	sor.u32 @!p0 $0x1C02, s15;
	s6 =	sadd.s32 s6, s8;
	s12 =	ssub.s32 s9, s12  }
0xd: {  	s16 =	sadd.s32 s28, s2;
	s7 =	sadd.s32 $0x3A600, s7;
	s30 =	sadd.s32 s29, s13  }
0xe: {  	s31 =	sshrl.u32 s13, $0x3;
	s8 =	sadd.s32 $0x5EF00, s8;
	s13 =	simm.s32 $0x4000  }
0xf: {  	s5 =	sadd.s32 $0x88E00, s6;
	s6 =	sadd.s32 $0x3400, s6;
	s9 =	sshrl.u32 s30, $0x3  }
0x10: {  	s10 =	sadd.s32 s11, s31;
	s16 =	sshrl.u32 @!p0 s16, $0x3;
	s9 =	sadd.s32 s11, s9  }
0x11: {  	s10 =	sadd.s32 $0x24900, s10;
	s11 =	smax.u32 s12, $0x1;
	s12 =	simm.s32 $0x2  }
.LBB2_1:
0x12: {  	[tilespmem:s3], [sflag:$0x2] =	stream.linear.gather [hbm4b:s5+s3], $0x3E80, $0x38;
	[tilespmem:$0x1E080] =	vst v63  }
0x13: {  	_ =	swait.ge [sflag:s12], $0x3E80  }
0x14: {  	[sflag:s12] =	ssyncset.done $0x0  }
0x15: {  	[sflag:s12] =	ssyncadd.s32 $0xFFFFC180  }
0x16: {  	[tilespmem:s13], [sflag:$0x2] =	stream.linear.gather [hbm4b:s6+s3], $0x3E80, $0x38;
	[tilespmem:$0x1E080] =	vst v63  }
0x17: {  	_ =	swait.ge [sflag:s12], $0x3E80  }
0x18: {  	[sflag:s12] =	ssyncset.done $0x0  }
0x19: {  	s21 =	simm.s32 @p0 $0x1FC2;
	[sflag:s12] =	ssyncadd.s32 $0xFFFFC180  }
0x1a: {  	[spmem:s14], [sflag:s21] =	dma.local @p0 [hbm:s8], $0x2800  }
0x1b: {  	s21 =	simm.s32 @p0 $0x2  }
0x1c: {  	_ =	swait.ge @p0 [sflag:s21], $0x2800  }
0x1d: {  	[sflag:s21] =	ssyncset.done @p0 $0x0  }
0x1e: {  	[sflag:s21] =	ssyncadd.s32 @p0 $0xFFFFD800;
	s21 =	simm.s32 @!p0 $0x2  }
0x1f: {  	[spmem:s16], [sflag:s15] =	dma.local @!p0 [hbm:s7], $0x2700  }
0x20: {  	_ =	swait.ge @!p0 [sflag:s21], $0x2700  }
0x21: {  	[sflag:s21] =	ssyncset.done @!p0 $0x0  }
0x22: {  	[sflag:s21] =	ssyncadd.s32 @!p0 $0xFFFFD900  }
0x23: {  	s30 =	simm.s32 $0x0;
	[bflag:$0x0] =	sbarrier.arrive $0xFFFF  }
0x24: {  	[tilespmem:s18], [sflag:$0x1] =	stream.indirect.gather [hbm4b:s4+s17], $0x80, s30, s17, $0xb8;
	[tilespmem:$0x1E080] =	vst v63  }
0x25: {  	_ =	swait.ge [sflag:s19], $0x2800  }
0x26: {  	[sflag:s19] =	ssyncset.done $0x0  }
0x27: {  	s31 =	simm.s32 $0x4000;
	[sflag:s19] =	ssyncadd.s32 $0xFFFFD800  }
0x28: {  	[spmem:s2] =	stream.indirect.scatter.add.f32 [tilespmem:s18], [sflag:$0x2], $0x80, s31, s17, $0xb8;
	[tilespmem:$0x1E080] =	vst v63  }
0x29: {  	_ =	swait.ge [sflag:s12], $0x2800  }
0x2a: {  	s22 =	simm.s32 $0x400;
	s21 =	simm.s32 $0x200;
	[sflag:s12] =	ssyncset.done $0x0  }
.LBB2_2:
0x2b: {  	s23 =	sshra.s32 s21, $0x2  }
0x2c: {  	[sflag:s12] =	ssyncadd.s32 $0xFFFFD800;
	s21 =	smov.u32 s22;
	s24 =	sadd.s32 $0x200, s22  }
0x2d: {  	[tilespmem:s18], [sflag:$0x1] =	stream.indirect.gather [hbm4b:s4+s17], $0x80, s23, s17, $0xb8;
	[tilespmem:$0x1E080] =	vst v63  }
0x2e: {  	p1 =	sne.s32 s22, $0xF800;
	_ =	swait.ge [sflag:s19], $0x2800  }
.Ltmp0:
0x2f: {  	[sflag:s19] =	ssyncset.done $0x0;
	(pc) =	sbr.rel @p1 .LBB2_2-.Ltmp0, $4  }
0x30: {  	s22 =	sadd.s32 $0x4000, s23;
	[sflag:s19] =	ssyncadd.s32 $0xFFFFD800  }
0x31: {  	[spmem:s2] =	stream.indirect.scatter.add.f32 [tilespmem:s18], [sflag:$0x2], $0x80, s22, s17, $0xb8;
	[tilespmem:$0x1E080] =	vst v63  }
0x32: {  	_ =	swait.ge [sflag:s12], $0x2800  }
0x33: {  	s22 =	smov.u32 s24;
	[sflag:s12] =	ssyncset.done $0x0  }
0x34: {  	s21 =	sshra.s32 s21, $0x2;
	[sflag:s12] =	ssyncadd.s32 $0xFFFFD800  }
0x35: {  	[tilespmem:s18], [sflag:$0x1] =	stream.indirect.gather [hbm4b:s4+s17], $0x80, s21, s17, $0xb8;
	[tilespmem:$0x1E080] =	vst v63  }
0x36: {  	_ =	swait.ge [sflag:s19], $0x2800  }
0x37: {  	[sflag:s19] =	ssyncset.done $0x0  }
0x38: {  	s21 =	sadd.s32 $0x4000, s21;
	[sflag:s19] =	ssyncadd.s32 $0xFFFFD800  }
0x39: {  	[spmem:s2] =	stream.indirect.scatter.add.f32 [tilespmem:s18], [sflag:$0x2], $0x80, s21, s17, $0xb8;
	[tilespmem:$0x1E080] =	vst v63  }
0x3a: {  	_ =	swait.ge [sflag:s12], $0x2800  }
0x3b: {  	[sflag:s12] =	ssyncset.done $0x0  }
0x3c: {  	[sflag:s12] =	ssyncadd.s32 $0xFFFFD800  }
0x3d: {  	s21 =	simm.s32 @p0 $0x1FC2;
	[bflag:$0x0] =	sbarrier.arrive $0xFFFF  }
0x3e: {  	[hbm:s10], [sflag:s21] =	dma.local @p0 [spmem:s14], $0x2800  }
0x3f: {  	s21 =	simm.s32 @p0 $0x2  }
0x40: {  	s20 =	sadd.s32 $0x1, s20;
	_ =	swait.ge @p0 [sflag:s21], $0x2800  }
0x41: {  	p1 =	sne.s32 s20, s11;
	[sflag:s21] =	ssyncset.done @p0 $0x0  }
.Ltmp1:
0x42: {  	[sflag:s21] =	ssyncadd.s32 @p0 $0xFFFFD800;
	s21 =	simm.s32 @!p0 $0x2;
	(pc) =	sbr.rel @p1 .LBB2_1-.Ltmp1, $4  }
0x43: {  	[hbm:s9], [sflag:s15] =	dma.local @!p0 [spmem:s16], $0x2700  }
0x44: {  	_ =	swait.ge @!p0 [sflag:s21], $0x2700  }
0x45: {  	[sflag:s21] =	ssyncset.done @!p0 $0x0  }
0x46: {  	[sflag:s21] =	ssyncadd.s32 @!p0 $0xFFFFD900  }
0x47: {  	_ =	sfence.sel $0x180000  }
0x48: {  	[bflag:$0x0] =	sbarrier.arrive $0xFFFF  }
0x49: {  	p0 =	sne.s32 s1, $0x0;
	_ =	strace $0x90000050  }
0x4a: {  	s0 =	sadd.s32 @!p0 $0x100000, s0;
	[bflag:$0x2] =	sbarrier.arrive $0xFFFF  }
0x4b: {  	[sflag:s0] =	ssyncadd.tile.s32 @!p0 $0x1;
	_ =	shalt  }
.Lfunc_end2:
_tile_overlayer_lowered:
.L_overlay_start_2:
0x4c: {  	(tag) =	ssettag $0x2  }
0x4d: {  	s0 =	rddreg [dreg:$0x0];
	s2 =	stileid.u32  }
0x4e: {  	s1 =	rddreg [dreg:$0x1];
	p0 =	sne.s32 s2, $0x0  }
0x4f: {  	s3 =	rddreg [dreg:$0x2];
	[bflag:$0x3] =	sbarrier.arrive $0xFFFF;
	s2 =	simm.s32 @!p0 $0x1C02  }
0x50: {  	[timem:s3], [sflag:s2] =	dma.local @!p0 [hbm:s0], s1  }
0x51: {  	s0 =	simm.s32 @!p0 $0x2  }
0x52: {  	_ =	swait.ge @!p0 [sflag:s0], s1  }
0x53: {  	s1 =	ssub.s32 @!p0 $0x0, s1;
	[sflag:s0] =	ssyncset.done @!p0 $0x0  }
0x54: {  	[sflag:s0] =	ssyncadd.s32 @!p0 s1  }
0x55: {  	[bflag:$0x3] =	sbarrier.arrive $0xFFFF  }
0x56: {  	_ =	shalt  }

</sc_bundles>
